<compile_context>
chip_gen: v7x
topology: tpu7x:2x2x1
jax: 0.10.2.dev20260603
libtpu: 0.0.44.dev20260713+nightly
codegen_flags: <defaults>
</compile_context>

<pallas_src>
import functools

import jax
import jax.numpy as jnp
from jax import lax
from jax.experimental import pallas as pl
from jax.experimental.pallas import tpu as pltpu
from jax.experimental.pallas import tpu_sc as plsc

N = 10000
E = 320000
D = 128
B = 20
PER = 500
K = 250
NPAD = 10240
GP = 512
KP = 256
NC = 2
NS = 16
NW = NC * NS
CH = 128
NCHUNK = E // CH
EPC = 2560
EP = EPC * CH
CPT = EPC // NW
SLICE = NPAD // NS
ROWS_PT = (B * KP) // NW
NEG = -3.0e38

_MESH = dict(core_axis_name="c", subcore_axis_name="s", num_cores=NC,
             num_subcores=NS)


def _fill(ref, n, value):
    def body(i, carry):
        ref[pl.ds(i * 16, 16)] = jnp.full((16,), value, ref.dtype)
        return carry
    lax.fori_loop(0, n // 16, body, 0)


def _fill2d(ref, rows, cols, value):
    def body(i, carry):
        r = i // (cols // 16)
        c = i % (cols // 16)
        ref[r, pl.ds(c * 16, 16)] = jnp.full((16,), value, ref.dtype)
        return carry
    lax.fori_loop(0, rows * (cols // 16), body, 0)


def _deg_body(src_hbm, dst_hbm, out_hbm, sh_do, sh_di, idx_v, ones_v, buf_v):
    cid = lax.axis_index("c")
    tid = lax.axis_index("s")
    wid = cid * NS + tid
    _fill(ones_v, CH, 1.0)
    _fill(buf_v, SLICE, 0.0)
    pltpu.sync_copy(buf_v, sh_do.at[pl.ds(tid * SLICE, SLICE)])
    pltpu.sync_copy(buf_v, sh_di.at[pl.ds(tid * SLICE, SLICE)])
    plsc.subcore_barrier()
    nloc = NCHUNK // NW + jnp.where(wid < NCHUNK % NW, 1, 0)

    def step(i, carry):
        base = (wid + i * NW) * CH
        pltpu.sync_copy(src_hbm.at[pl.ds(base, CH)], idx_v)
        pltpu.sync_copy(ones_v, sh_do.at[idx_v], add=True)
        pltpu.sync_copy(dst_hbm.at[pl.ds(base, CH)], idx_v)
        pltpu.sync_copy(ones_v, sh_di.at[idx_v], add=True)
        return carry
    lax.fori_loop(0, nloc, step, 0)
    plsc.subcore_barrier()
    pltpu.sync_copy(sh_do.at[pl.ds(tid * SLICE, SLICE)], buf_v)
    pltpu.sync_copy(buf_v, out_hbm.at[cid, 0, pl.ds(tid * SLICE, SLICE)])
    pltpu.sync_copy(sh_di.at[pl.ds(tid * SLICE, SLICE)], buf_v)
    pltpu.sync_copy(buf_v, out_hbm.at[cid, 1, pl.ds(tid * SLICE, SLICE)])


_deg_call = pl.kernel(
    _deg_body,
    out_type=jax.ShapeDtypeStruct((NC, 2, NPAD), jnp.float32),
    mesh=plsc.VectorSubcoreMesh(**_MESH),
    scratch_types=[
        pltpu.VMEM_SHARED((NPAD,), jnp.float32),
        pltpu.VMEM_SHARED((NPAD,), jnp.float32),
        pltpu.VMEM((CH,), jnp.int32),
        pltpu.VMEM((CH,), jnp.float32),
        pltpu.VMEM((SLICE,), jnp.float32),
    ],
)


def _agg_body(src_hbm, dst_hbm, h_hbm, out_hbm, sh_acc, idxs_v, idxd_v,
              rows_v):
    cid = lax.axis_index("c")
    tid = lax.axis_index("s")
    wid = cid * NS + tid
    _fill2d(rows_v, CH, D, 0.0)
    for j in range(SLICE // CH):
        pltpu.sync_copy(rows_v, sh_acc.at[pl.ds(tid * SLICE + j * CH, CH)])
    plsc.subcore_barrier()
    nloc = NCHUNK // NW + jnp.where(wid < NCHUNK % NW, 1, 0)

    def step(i, carry):
        base = (wid + i * NW) * CH
        pltpu.sync_copy(src_hbm.at[pl.ds(base, CH)], idxs_v)
        pltpu.sync_copy(dst_hbm.at[pl.ds(base, CH)], idxd_v)
        pltpu.sync_copy(h_hbm.at[idxs_v], rows_v)
        pltpu.sync_copy(rows_v, sh_acc.at[idxd_v], add=True)
        return carry
    lax.fori_loop(0, nloc, step, 0)
    plsc.subcore_barrier()
    for j in range(SLICE // CH):
        pltpu.sync_copy(sh_acc.at[pl.ds(tid * SLICE + j * CH, CH)], rows_v)
        pltpu.sync_copy(
            rows_v, out_hbm.at[cid, pl.ds(tid * SLICE + j * CH, CH)])


_agg_call = pl.kernel(
    _agg_body,
    out_type=jax.ShapeDtypeStruct((NC, NPAD, D), jnp.float32),
    mesh=plsc.VectorSubcoreMesh(**_MESH),
    scratch_types=[
        pltpu.VMEM_SHARED((NPAD, D), jnp.float32),
        pltpu.VMEM((CH,), jnp.int32),
        pltpu.VMEM((CH,), jnp.int32),
        pltpu.VMEM((CH, D), jnp.float32),
    ],
)


def _gat_body(feat_hbm, idx_hbm, out_hbm, idx_a, idx_b, rows_v):
    cid = lax.axis_index("c")
    tid = lax.axis_index("s")
    wid = cid * NS + tid
    base = wid * ROWS_PT
    half = ROWS_PT // 2
    pltpu.sync_copy(idx_hbm.at[pl.ds(base, half)], idx_a)
    pltpu.sync_copy(idx_hbm.at[pl.ds(base + half, half)], idx_b)
    pltpu.sync_copy(feat_hbm.at[idx_a], rows_v.at[pl.ds(0, half)])
    pltpu.sync_copy(feat_hbm.at[idx_b], rows_v.at[pl.ds(half, half)])
    pltpu.sync_copy(rows_v, out_hbm.at[pl.ds(base, ROWS_PT)])


_gat_call = pl.kernel(
    _gat_body,
    out_type=jax.ShapeDtypeStruct((B * KP, D), jnp.float32),
    mesh=plsc.VectorSubcoreMesh(**_MESH),
    scratch_types=[
        pltpu.VMEM((ROWS_PT // 2,), jnp.int32),
        pltpu.VMEM((ROWS_PT // 2,), jnp.int32),
        pltpu.VMEM((ROWS_PT, D), jnp.float32),
    ],
)


def _prep_body(f_ref, do0, do1, di0, di1, h_ref, ni_ref):
    deg_out = do0[...] + do1[...]
    deg_in = di0[...] + di1[...]
    norm_out = lax.rsqrt(jnp.maximum(deg_out, 1.0))
    h_ref[...] = f_ref[...] * norm_out
    ni_ref[...] = lax.rsqrt(jnp.maximum(deg_in, 1.0))


_prep_call = pl.pallas_call(
    _prep_body,
    out_shape=(
        jax.ShapeDtypeStruct((NPAD, D), jnp.float32),
        jax.ShapeDtypeStruct((NPAD, 1), jnp.float32),
    ),
)


def _score_body(a0_ref, a1_ref, ni_ref, w_ref, s_ref):
    agg = (a0_ref[...] + a1_ref[...]) * ni_ref[...]
    s_ref[...] = jnp.dot(agg, w_ref[...], preferred_element_type=jnp.float32)


_score_call = pl.pallas_call(
    _score_body,
    out_shape=jax.ShapeDtypeStruct((NPAD, 1), jnp.float32),
)


def _topk_body(sg_ref, b_ref, perm_ref, scale_ref):
    g = pl.program_id(0)
    s = sg_ref[...].reshape(1, GP) + b_ref[0, 0]
    lane = lax.broadcasted_iota(jnp.int32, (1, GP), 1)
    sp = jnp.where(lane < PER, s, NEG)
    sb = jnp.broadcast_to(sp, (GP, GP))
    ir = lax.broadcasted_iota(jnp.int32, (GP, GP), 0)
    ic = lax.broadcasted_iota(jnp.int32, (GP, GP), 1)
    eye = ir == ic
    s_col = jnp.sum(jnp.where(eye, sb, 0.0), axis=1, keepdims=True)
    term = (sb > s_col) | ((sb == s_col) & (ic < ir))
    cnt = jnp.sum(term.astype(jnp.float32), axis=1, keepdims=True)
    onehot = cnt == ic.astype(jnp.float32)
    sel = jnp.sum(jnp.where(onehot, ir.astype(jnp.float32), 0.0), axis=0,
                  keepdims=True)
    scol_b = jnp.broadcast_to(s_col, (GP, GP))
    ssort = jnp.sum(jnp.where(onehot, scol_b, 0.0), axis=0, keepdims=True)
    perm_ref[...] = (sel.astype(jnp.int32) + g * PER).reshape(1, 1, GP)
    scale_ref[...] = jnp.tanh(ssort).reshape(1, 1, GP)


_topk_call = pl.pallas_call(
    _topk_body,
    grid=(B,),
    in_specs=[
        pl.BlockSpec((1, 1, GP), lambda g: (g, 0, 0)),
        pl.BlockSpec((1, 1), lambda g: (0, 0)),
    ],
    out_specs=(
        pl.BlockSpec((1, 1, GP), lambda g: (g, 0, 0)),
        pl.BlockSpec((1, 1, GP), lambda g: (g, 0, 0)),
    ),
    out_shape=(
        jax.ShapeDtypeStruct((B, 1, GP), jnp.int32),
        jax.ShapeDtypeStruct((B, 1, GP), jnp.float32),
    ),
)


def _scale_body(rows_ref, sc_ref, out_ref):
    out_ref[...] = rows_ref[...] * sc_ref[...]


_scale_call = pl.pallas_call(
    _scale_body,
    out_shape=jax.ShapeDtypeStruct((B * KP, D), jnp.float32),
)


def kernel(feature, W, b, edge_index, batch_num_nodes):
    src = edge_index[0]
    dst = edge_index[1]

    degp = _deg_call(src, dst)
    fpad = jnp.concatenate(
        [feature, jnp.zeros((NPAD - N, D), jnp.float32)], axis=0)
    h, norm_in = _prep_call(
        fpad,
        degp[0, 0].reshape(NPAD, 1), degp[1, 0].reshape(NPAD, 1),
        degp[0, 1].reshape(NPAD, 1), degp[1, 1].reshape(NPAD, 1))
    accp = _agg_call(src, dst, h)
    score = _score_call(accp[0], accp[1], norm_in, W)

    zpad = jnp.full((B, GP - PER), NEG, jnp.float32)
    sg = jnp.concatenate([score[:N, 0].reshape(B, PER), zpad], axis=1)
    perm, scale = _topk_call(sg.reshape(B, 1, GP), b.reshape(1, 1))
    perm = perm.reshape(B, GP)
    scale = scale.reshape(B, GP)

    idx = perm[:, :KP].reshape(B * KP)
    rows = _gat_call(feature, idx)
    feat = _scale_call(rows, scale[:, :KP].reshape(B * KP, 1))

    feat_out = feat.reshape(B, KP, D)[:, :K].reshape(B * K, D)
    perm_sel = idx.reshape(B, KP)[:, :K].reshape(B * K)
    return feat_out, perm_sel

# --- scband reference (transcript-rebuilt; emitter-appended) ---
"""Pipeline reference for scband-oriented-pool-15195594293506 (READ-ONLY COPY).

The authoritative reference and input builder live on the scoring server;
editing this copy changes nothing except your own understanding.
"""

import jax, jax.numpy as jnp
import numpy as np

N = 10000
E = 320000
D = 128
B = 20
PER = 500  # nodes per graph (N = B * PER)
RATIO = 0.5


def setup_inputs(seed: int = 0) -> dict:
    key = jax.random.key(seed)
    k1, k2, k3 = jax.random.split(key, 3)
    feature = jax.random.normal(k1, (N, D), dtype=jnp.float32)
    edge_index = jax.random.randint(k2, (2, E), 0, N, dtype=jnp.int32)
    # GraphConv(in_dim, 1) parameters: weight [D, 1], bias [1]
    W = jax.random.normal(k3, (D, 1), dtype=jnp.float32) * 0.05
    b = jnp.zeros((1,), dtype=jnp.float32)
    batch_num_nodes = jnp.full((B,), PER, dtype=jnp.int32)
    return {"feature": feature, "W": W, "b": b, "edge_index": edge_index, "batch_num_nodes": batch_num_nodes}


def _graph_conv(feature, W, b, src, dst):
    # DGL GraphConv with norm='both': D_out^{-1/2} A D_in^{-1/2} X W + b
    ones = jnp.ones(src.shape[0], dtype=feature.dtype)
    deg_out = jax.ops.segment_sum(ones, src, num_segments=N)
    deg_in = jax.ops.segment_sum(ones, dst, num_segments=N)
    norm_out = jnp.power(jnp.clip(deg_out, 1.0, None), -0.5)
    norm_in = jnp.power(jnp.clip(deg_in, 1.0, None), -0.5)
    h = feature * norm_out[:, None]
    agg = jax.ops.segment_sum(h[src], dst, num_segments=N)
    agg = agg * norm_in[:, None]
    return agg @ W + b


def reference(feature, W, b, edge_index, batch_num_nodes):
    src = edge_index[0]
    dst = edge_index[1]
    score = _graph_conv(feature, W, b, src, dst).squeeze(-1)  # [N]

    # topk(score, ratio, batch_id, num_nodes) -- faithful dense scatter + sort
    max_nn = PER
    batch_id = jnp.repeat(jnp.arange(B, dtype=jnp.int32), PER)
    cum = jnp.concatenate([jnp.zeros(1, dtype=jnp.int32), jnp.cumsum(batch_num_nodes)[:-1].astype(jnp.int32)])
    index = jnp.arange(N, dtype=jnp.int32) - cum[batch_id] + batch_id * max_nn
    dense = jnp.full((B * max_nn,), jnp.finfo(score.dtype).min, dtype=score.dtype)
    dense = dense.at[index].set(score)
    dense = dense.reshape(B, max_nn)
    perm = jnp.argsort(-dense, axis=-1)  # descending sort per graph
    perm = perm + cum[:, None]
    k = int(np.ceil(RATIO * PER))
    perm_sel = perm[:, :k].reshape(-1)  # [B * k]

    score_sel = score[perm_sel]
    feat_out = feature[perm_sel] * jnp.tanh(score_sel)[:, None]
    return feat_out, perm_sel

if __name__ == "__main__":
    import jax
    _d = setup_inputs()
    print(jax.jit(kernel)(*tuple(_d.values())))

</pallas_src>

<mosaic_0001>
#map = affine_map<(d0, d1) -> (0)>
#map1 = affine_map<(d0, d1) -> (0, 0, 0)>
module attributes {stable_mosaic.version = 14 : i64} {
  func.func @_deg_body(%arg0: i32, %arg1: i32, %arg2: memref<320000xi32, #tpu.memory_space<hbm>>, %arg3: memref<320000xi32, #tpu.memory_space<hbm>>, %arg4: memref<2x2x10240xf32, #tpu.memory_space<hbm>>, %arg5: memref<10240xf32, #tpu.memory_space<vmem_shared>>, %arg6: memref<10240xf32, #tpu.memory_space<vmem_shared>>, %arg7: memref<128xi32, #tpu.memory_space<vmem>>, %arg8: memref<128xf32, #tpu.memory_space<vmem>>, %arg9: memref<640xf32, #tpu.memory_space<vmem>>) attributes {dimension_semantics = [#tpu.dimension_semantics<core_parallel>, #tpu.dimension_semantics<subcore_parallel>], iteration_bounds = array<i64: 2, 16>, scalar_prefetch = 0 : i64, scratch_operands = 5 : i64, tpu.core_type = #tpu.core_type<sc_vector_subcore>, window_params = [{transform_indices = #map}, {transform_indices = #map}, {transform_indices = #map1}]} {
    %mul3A = arith.constant 16 : i32
    %mul3A_0 = arith.muli %arg0, %mul3A : i32
    %add3A = arith.addi %mul3A_0, %arg1 : i32
    %scan3A = arith.constant 0 : i32
    %scan3A_1 = arith.constant 0 : i32
    %scan3A_2 = arith.constant 8 : i32
    %scan3A_3 = arith.addi %scan3A_1, %scan3A_2 : i32
    %scan3A_4 = arith.constant 1 : i32
    scf.for %scan3A_39 = %scan3A_1 to %scan3A_3 step %scan3A_4  : i32 {
      %broadcast_in_dim3A = arith.constant 1.000000e+00 : f32
      %broadcast_in_dim3A_40 = vector.broadcast %broadcast_in_dim3A : f32 to vector<16xf32>
      %mul3A_41 = arith.constant 16 : i32
      %mul3A_42 = arith.muli %scan3A_39, %mul3A_41 : i32
      %swap3A = arith.index_cast %mul3A_42 : i32 to index
      %swap3A_43 = tpu.vector_load %arg8[%swap3A] {strides = array<i32>} : memref<128xf32, #tpu.memory_space<vmem>>, vector<16xf32>,
      %swap3A_44 = vector.shape_cast %swap3A_43 : vector<16xf32> to vector<16xf32>
      %swap3A_45 = vector.shape_cast %broadcast_in_dim3A_40 : vector<16xf32> to vector<16xf32>
      tpu.vector_store %arg8[%swap3A], %swap3A_45 {strides = array<i32>} : memref<128xf32, #tpu.memory_space<vmem>>, vector<16xf32>,
    }
    %scan3A_5 = arith.constant 8 : i32
    %scan3A_6 = arith.constant 0 : i32
    %scan3A_7 = arith.constant 0 : i32
    %scan3A_8 = arith.constant 40 : i32
    %scan3A_9 = arith.addi %scan3A_7, %scan3A_8 : i32
    %scan3A_10 = arith.constant 1 : i32
    scf.for %scan3A_39 = %scan3A_7 to %scan3A_9 step %scan3A_10  : i32 {
      %broadcast_in_dim3A = arith.constant 0.000000e+00 : f32
      %broadcast_in_dim3A_40 = vector.broadcast %broadcast_in_dim3A : f32 to vector<16xf32>
      %mul3A_41 = arith.constant 16 : i32
      %mul3A_42 = arith.muli %scan3A_39, %mul3A_41 : i32
      %swap3A = arith.index_cast %mul3A_42 : i32 to index
      %swap3A_43 = tpu.vector_load %arg9[%swap3A] {strides = array<i32>} : memref<640xf32, #tpu.memory_space<vmem>>, vector<16xf32>,
      %swap3A_44 = vector.shape_cast %swap3A_43 : vector<16xf32> to vector<16xf32>
      %swap3A_45 = vector.shape_cast %broadcast_in_dim3A_40 : vector<16xf32> to vector<16xf32>
      tpu.vector_store %arg9[%swap3A], %swap3A_45 {strides = array<i32>} : memref<640xf32, #tpu.memory_space<vmem>>, vector<16xf32>,
    }
    %scan3A_11 = arith.constant 40 : i32
    %mul3A_12 = arith.constant 640 : i32
    %mul3A_13 = arith.muli %arg1, %mul3A_12 : i32
    "tpu.region"() ({
      %run_scoped3A_39 = tpu.sem_alloc : memref<!tpu.dma_semaphore, #tpu.memory_space<semaphore_mem>>
      %dma_start3A = tpu.memref_slice %arg5[%mul3A_13] : memref<10240xf32, #tpu.memory_space<vmem_shared>> -> memref<640xf32, #tpu.memory_space<vmem_shared>>
      %dma_start3A_40 = tpu.memref_slice %arg5[%mul3A_13] : memref<10240xf32, #tpu.memory_space<vmem_shared>> -> memref<640xf32, #tpu.memory_space<vmem_shared>>
      tpu.enqueue_dma source(%arg9 : memref<640xf32, #tpu.memory_space<vmem>>) target(%dma_start3A_40 : memref<640xf32, #tpu.memory_space<vmem_shared>>) target_semaphore(%run_scoped3A_39 : memref<!tpu.dma_semaphore, #tpu.memory_space<semaphore_mem>>)
      %dma_wait3A = tpu.memref_slice %arg5[%mul3A_13] : memref<10240xf32, #tpu.memory_space<vmem_shared>> -> memref<640xf32, #tpu.memory_space<vmem_shared>>
      %dma_wait3A_41 = tpu.memref_slice %arg5[%mul3A_13] : memref<10240xf32, #tpu.memory_space<vmem_shared>> -> memref<640xf32, #tpu.memory_space<vmem_shared>>
      tpu.wait_dma2 semaphore(%run_scoped3A_39 : memref<!tpu.dma_semaphore, #tpu.memory_space<semaphore_mem>>) src(%arg9 : memref<640xf32, #tpu.memory_space<vmem>>) dst(%dma_wait3A_41 : memref<640xf32, #tpu.memory_space<vmem_shared>>)
      tpu.yield
    }) : () -> ()
    %mul3A_14 = arith.constant 640 : i32
    %mul3A_15 = arith.muli %arg1, %mul3A_14 : i32
    "tpu.region"() ({
      %run_scoped3A_39 = tpu.sem_alloc : memref<!tpu.dma_semaphore, #tpu.memory_space<semaphore_mem>>
      %dma_start3A = tpu.memref_slice %arg6[%mul3A_15] : memref<10240xf32, #tpu.memory_space<vmem_shared>> -> memref<640xf32, #tpu.memory_space<vmem_shared>>
      %dma_start3A_40 = tpu.memref_slice %arg6[%mul3A_15] : memref<10240xf32, #tpu.memory_space<vmem_shared>> -> memref<640xf32, #tpu.memory_space<vmem_shared>>
      tpu.enqueue_dma source(%arg9 : memref<640xf32, #tpu.memory_space<vmem>>) target(%dma_start3A_40 : memref<640xf32, #tpu.memory_space<vmem_shared>>) target_semaphore(%run_scoped3A_39 : memref<!tpu.dma_semaphore, #tpu.memory_space<semaphore_mem>>)
      %dma_wait3A = tpu.memref_slice %arg6[%mul3A_15] : memref<10240xf32, #tpu.memory_space<vmem_shared>> -> memref<640xf32, #tpu.memory_space<vmem_shared>>
      %dma_wait3A_41 = tpu.memref_slice %arg6[%mul3A_15] : memref<10240xf32, #tpu.memory_space<vmem_shared>> -> memref<640xf32, #tpu.memory_space<vmem_shared>>
      tpu.wait_dma2 semaphore(%run_scoped3A_39 : memref<!tpu.dma_semaphore, #tpu.memory_space<semaphore_mem>>) src(%arg9 : memref<640xf32, #tpu.memory_space<vmem>>) dst(%dma_wait3A_41 : memref<640xf32, #tpu.memory_space<vmem_shared>>)
      tpu.yield
    }) : () -> ()
    %barrier3A = arith.constant 0 : index
    tpu.barrier barrier_id(%barrier3A)
    %lt3A = arith.constant 4 : i32
    %lt3A_16 = arith.cmpi slt, %add3A, %lt3A : i32
    %jit3A = arith.constant 1 : i32
    %jit3A_17 = arith.constant 0 : i32
    %select_n3A = arith.select %lt3A_16, %jit3A, %jit3A_17 : i32
    %add3A_18 = arith.constant 78 : i32
    %add3A_19 = arith.addi %add3A_18, %select_n3A : i32
    %while3A = arith.constant 0 : i32
    %while3A_20 = arith.constant 0 : i32
    %while3A_21 = arith.subi %add3A_19, %while3A_20 : i32
    %while3A_22 = arith.addi %while3A_20, %while3A_21 : i32
    %while3A_23 = arith.constant 1 : i32
    %while3A_24 = arith.divsi %while3A_21, %while3A_23 : i32
    %while3A_25 = arith.muli %while3A_24, %while3A_23 : i32
    %while3A_26 = arith.addi %while3A_20, %while3A_25 : i32
    %while3A_27 = arith.constant 1 : i32
    scf.for %while3A_39 = %while3A_20 to %while3A_26 step %while3A_27  : i32 {
      %mul3A_40 = arith.constant 32 : i32
      %mul3A_41 = arith.muli %while3A_39, %mul3A_40 : i32
      %add3A_42 = arith.addi %add3A, %mul3A_41 : i32
      %mul3A_43 = arith.constant 128 : i32
      %mul3A_44 = arith.muli %add3A_42, %mul3A_43 : i32
      "tpu.region"() ({
        %run_scoped3A_45 = tpu.sem_alloc : memref<!tpu.dma_semaphore, #tpu.memory_space<semaphore_mem>>
        %dma_start3A = tpu.memref_slice %arg2[%mul3A_44] : memref<320000xi32, #tpu.memory_space<hbm>> -> memref<128xi32, #tpu.memory_space<hbm>>
        %dma_start3A_46 = tpu.memref_slice %arg2[%mul3A_44] : memref<320000xi32, #tpu.memory_space<hbm>> -> memref<128xi32, #tpu.memory_space<hbm>>
        tpu.enqueue_dma source(%dma_start3A_46 : memref<128xi32, #tpu.memory_space<hbm>>) target(%arg7 : memref<128xi32, #tpu.memory_space<vmem>>) target_semaphore(%run_scoped3A_45 : memref<!tpu.dma_semaphore, #tpu.memory_space<semaphore_mem>>)
        %dma_wait3A = tpu.memref_slice %arg2[%mul3A_44] : memref<320000xi32, #tpu.memory_space<hbm>> -> memref<128xi32, #tpu.memory_space<hbm>>
        %dma_wait3A_47 = tpu.memref_slice %arg2[%mul3A_44] : memref<320000xi32, #tpu.memory_space<hbm>> -> memref<128xi32, #tpu.memory_space<hbm>>
        tpu.wait_dma2 semaphore(%run_scoped3A_45 : memref<!tpu.dma_semaphore, #tpu.memory_space<semaphore_mem>>) src(%dma_wait3A_47 : memref<128xi32, #tpu.memory_space<hbm>>) dst(%arg7 : memref<128xi32, #tpu.memory_space<vmem>>)
        tpu.yield
      }) : () -> ()
      "tpu.region"() ({
        %run_scoped3A_45 = tpu.sem_alloc : memref<!tpu.dma_semaphore, #tpu.memory_space<semaphore_mem>>
        %dma_start3A = arith.constant 0 : i32
        %dma_start3A_46 = tpu.memref_slice %arg5[%dma_start3A] : memref<10240xf32, #tpu.memory_space<vmem_shared>> -> memref<10240xf32, #tpu.memory_space<vmem_shared>>
        tpu.enqueue_indirect_dma source(%arg8 : memref<128xf32, #tpu.memory_space<vmem>>) target(%dma_start3A_46 : memref<10240xf32, #tpu.memory_space<vmem_shared>>) offsets(%arg7 : memref<128xi32, #tpu.memory_space<vmem>>) semaphore(%run_scoped3A_45 : memref<!tpu.dma_semaphore, #tpu.memory_space<semaphore_mem>>) {add = true}
        %dma_wait3A = arith.constant 0 : i32
        %dma_wait3A_47 = tpu.memref_slice %arg5[%dma_wait3A] : memref<10240xf32, #tpu.memory_space<vmem_shared>> -> memref<10240xf32, #tpu.memory_space<vmem_shared>>
        tpu.wait_indirect_dma semaphore(%run_scoped3A_45 : memref<!tpu.dma_semaphore, #tpu.memory_space<semaphore_mem>>) src(%arg8 : memref<128xf32, #tpu.memory_space<vmem>>) dst(%dma_wait3A_47 : memref<10240xf32, #tpu.memory_space<vmem_shared>>)
        tpu.yield
      }) : () -> ()
      "tpu.region"() ({
        %run_scoped3A_45 = tpu.sem_alloc : memref<!tpu.dma_semaphore, #tpu.memory_space<semaphore_mem>>
        %dma_start3A = tpu.memref_slice %arg3[%mul3A_44] : memref<320000xi32, #tpu.memory_space<hbm>> -> memref<128xi32, #tpu.memory_space<hbm>>
        %dma_start3A_46 = tpu.memref_slice %arg3[%mul3A_44] : memref<320000xi32, #tpu.memory_space<hbm>> -> memref<128xi32, #tpu.memory_space<hbm>>
        tpu.enqueue_dma source(%dma_start3A_46 : memref<128xi32, #tpu.memory_space<hbm>>) target(%arg7 : memref<128xi32, #tpu.memory_space<vmem>>) target_semaphore(%run_scoped3A_45 : memref<!tpu.dma_semaphore, #tpu.memory_space<semaphore_mem>>)
        %dma_wait3A = tpu.memref_slice %arg3[%mul3A_44] : memref<320000xi32, #tpu.memory_space<hbm>> -> memref<128xi32, #tpu.memory_space<hbm>>
        %dma_wait3A_47 = tpu.memref_slice %arg3[%mul3A_44] : memref<320000xi32, #tpu.memory_space<hbm>> -> memref<128xi32, #tpu.memory_space<hbm>>
        tpu.wait_dma2 semaphore(%run_scoped3A_45 : memref<!tpu.dma_semaphore, #tpu.memory_space<semaphore_mem>>) src(%dma_wait3A_47 : memref<128xi32, #tpu.memory_space<hbm>>) dst(%arg7 : memref<128xi32, #tpu.memory_space<vmem>>)
        tpu.yield
      }) : () -> ()
      "tpu.region"() ({
        %run_scoped3A_45 = tpu.sem_alloc : memref<!tpu.dma_semaphore, #tpu.memory_space<semaphore_mem>>
        %dma_start3A = arith.constant 0 : i32
        %dma_start3A_46 = tpu.memref_slice %arg6[%dma_start3A] : memref<10240xf32, #tpu.memory_space<vmem_shared>> -> memref<10240xf32, #tpu.memory_space<vmem_shared>>
        tpu.enqueue_indirect_dma source(%arg8 : memref<128xf32, #tpu.memory_space<vmem>>) target(%dma_start3A_46 : memref<10240xf32, #tpu.memory_space<vmem_shared>>) offsets(%arg7 : memref<128xi32, #tpu.memory_space<vmem>>) semaphore(%run_scoped3A_45 : memref<!tpu.dma_semaphore, #tpu.memory_space<semaphore_mem>>) {add = true}
        %dma_wait3A = arith.constant 0 : i32
        %dma_wait3A_47 = tpu.memref_slice %arg6[%dma_wait3A] : memref<10240xf32, #tpu.memory_space<vmem_shared>> -> memref<10240xf32, #tpu.memory_space<vmem_shared>>
        tpu.wait_indirect_dma semaphore(%run_scoped3A_45 : memref<!tpu.dma_semaphore, #tpu.memory_space<semaphore_mem>>) src(%arg8 : memref<128xf32, #tpu.memory_space<vmem>>) dst(%dma_wait3A_47 : memref<10240xf32, #tpu.memory_space<vmem_shared>>)
        tpu.yield
      }) : () -> ()
    }
    %while3A_28 = arith.constant 1 : i32
    scf.for %while3A_39 = %while3A_26 to %while3A_22 step %while3A_28  : i32 {
      %mul3A_40 = arith.constant 32 : i32
      %mul3A_41 = arith.muli %while3A_39, %mul3A_40 : i32
      %add3A_42 = arith.addi %add3A, %mul3A_41 : i32
      %mul3A_43 = arith.constant 128 : i32
      %mul3A_44 = arith.muli %add3A_42, %mul3A_43 : i32
      "tpu.region"() ({
        %run_scoped3A_45 = tpu.sem_alloc : memref<!tpu.dma_semaphore, #tpu.memory_space<semaphore_mem>>
        %dma_start3A = tpu.memref_slice %arg2[%mul3A_44] : memref<320000xi32, #tpu.memory_space<hbm>> -> memref<128xi32, #tpu.memory_space<hbm>>
        %dma_start3A_46 = tpu.memref_slice %arg2[%mul3A_44] : memref<320000xi32, #tpu.memory_space<hbm>> -> memref<128xi32, #tpu.memory_space<hbm>>
        tpu.enqueue_dma source(%dma_start3A_46 : memref<128xi32, #tpu.memory_space<hbm>>) target(%arg7 : memref<128xi32, #tpu.memory_space<vmem>>) target_semaphore(%run_scoped3A_45 : memref<!tpu.dma_semaphore, #tpu.memory_space<semaphore_mem>>)
        %dma_wait3A = tpu.memref_slice %arg2[%mul3A_44] : memref<320000xi32, #tpu.memory_space<hbm>> -> memref<128xi32, #tpu.memory_space<hbm>>
        %dma_wait3A_47 = tpu.memref_slice %arg2[%mul3A_44] : memref<320000xi32, #tpu.memory_space<hbm>> -> memref<128xi32, #tpu.memory_space<hbm>>
        tpu.wait_dma2 semaphore(%run_scoped3A_45 : memref<!tpu.dma_semaphore, #tpu.memory_space<semaphore_mem>>) src(%dma_wait3A_47 : memref<128xi32, #tpu.memory_space<hbm>>) dst(%arg7 : memref<128xi32, #tpu.memory_space<vmem>>)
        tpu.yield
      }) : () -> ()
      "tpu.region"() ({
        %run_scoped3A_45 = tpu.sem_alloc : memref<!tpu.dma_semaphore, #tpu.memory_space<semaphore_mem>>
        %dma_start3A = arith.constant 0 : i32
        %dma_start3A_46 = tpu.memref_slice %arg5[%dma_start3A] : memref<10240xf32, #tpu.memory_space<vmem_shared>> -> memref<10240xf32, #tpu.memory_space<vmem_shared>>
        tpu.enqueue_indirect_dma source(%arg8 : memref<128xf32, #tpu.memory_space<vmem>>) target(%dma_start3A_46 : memref<10240xf32, #tpu.memory_space<vmem_shared>>) offsets(%arg7 : memref<128xi32, #tpu.memory_space<vmem>>) semaphore(%run_scoped3A_45 : memref<!tpu.dma_semaphore, #tpu.memory_space<semaphore_mem>>) {add = true}
        %dma_wait3A = arith.constant 0 : i32
        %dma_wait3A_47 = tpu.memref_slice %arg5[%dma_wait3A] : memref<10240xf32, #tpu.memory_space<vmem_shared>> -> memref<10240xf32, #tpu.memory_space<vmem_shared>>
        tpu.wait_indirect_dma semaphore(%run_scoped3A_45 : memref<!tpu.dma_semaphore, #tpu.memory_space<semaphore_mem>>) src(%arg8 : memref<128xf32, #tpu.memory_space<vmem>>) dst(%dma_wait3A_47 : memref<10240xf32, #tpu.memory_space<vmem_shared>>)
        tpu.yield
      }) : () -> ()
      "tpu.region"() ({
        %run_scoped3A_45 = tpu.sem_alloc : memref<!tpu.dma_semaphore, #tpu.memory_space<semaphore_mem>>
        %dma_start3A = tpu.memref_slice %arg3[%mul3A_44] : memref<320000xi32, #tpu.memory_space<hbm>> -> memref<128xi32, #tpu.memory_space<hbm>>
        %dma_start3A_46 = tpu.memref_slice %arg3[%mul3A_44] : memref<320000xi32, #tpu.memory_space<hbm>> -> memref<128xi32, #tpu.memory_space<hbm>>
        tpu.enqueue_dma source(%dma_start3A_46 : memref<128xi32, #tpu.memory_space<hbm>>) target(%arg7 : memref<128xi32, #tpu.memory_space<vmem>>) target_semaphore(%run_scoped3A_45 : memref<!tpu.dma_semaphore, #tpu.memory_space<semaphore_mem>>)
        %dma_wait3A = tpu.memref_slice %arg3[%mul3A_44] : memref<320000xi32, #tpu.memory_space<hbm>> -> memref<128xi32, #tpu.memory_space<hbm>>
        %dma_wait3A_47 = tpu.memref_slice %arg3[%mul3A_44] : memref<320000xi32, #tpu.memory_space<hbm>> -> memref<128xi32, #tpu.memory_space<hbm>>
        tpu.wait_dma2 semaphore(%run_scoped3A_45 : memref<!tpu.dma_semaphore, #tpu.memory_space<semaphore_mem>>) src(%dma_wait3A_47 : memref<128xi32, #tpu.memory_space<hbm>>) dst(%arg7 : memref<128xi32, #tpu.memory_space<vmem>>)
        tpu.yield
      }) : () -> ()
      "tpu.region"() ({
        %run_scoped3A_45 = tpu.sem_alloc : memref<!tpu.dma_semaphore, #tpu.memory_space<semaphore_mem>>
        %dma_start3A = arith.constant 0 : i32
        %dma_start3A_46 = tpu.memref_slice %arg6[%dma_start3A] : memref<10240xf32, #tpu.memory_space<vmem_shared>> -> memref<10240xf32, #tpu.memory_space<vmem_shared>>
        tpu.enqueue_indirect_dma source(%arg8 : memref<128xf32, #tpu.memory_space<vmem>>) target(%dma_start3A_46 : memref<10240xf32, #tpu.memory_space<vmem_shared>>) offsets(%arg7 : memref<128xi32, #tpu.memory_space<vmem>>) semaphore(%run_scoped3A_45 : memref<!tpu.dma_semaphore, #tpu.memory_space<semaphore_mem>>) {add = true}
        %dma_wait3A = arith.constant 0 : i32
        %dma_wait3A_47 = tpu.memref_slice %arg6[%dma_wait3A] : memref<10240xf32, #tpu.memory_space<vmem_shared>> -> memref<10240xf32, #tpu.memory_space<vmem_shared>>
        tpu.wait_indirect_dma semaphore(%run_scoped3A_45 : memref<!tpu.dma_semaphore, #tpu.memory_space<semaphore_mem>>) src(%arg8 : memref<128xf32, #tpu.memory_space<vmem>>) dst(%dma_wait3A_47 : memref<10240xf32, #tpu.memory_space<vmem_shared>>)
        tpu.yield
      }) : () -> ()
    }
    %barrier3A_29 = arith.constant 0 : index
    tpu.barrier barrier_id(%barrier3A_29)
    %mul3A_30 = arith.constant 640 : i32
    %mul3A_31 = arith.muli %arg1, %mul3A_30 : i32
    "tpu.region"() ({
      %run_scoped3A_39 = tpu.sem_alloc : memref<!tpu.dma_semaphore, #tpu.memory_space<semaphore_mem>>
      %dma_start3A = tpu.memref_slice %arg5[%mul3A_31] : memref<10240xf32, #tpu.memory_space<vmem_shared>> -> memref<640xf32, #tpu.memory_space<vmem_shared>>
      %dma_start3A_40 = tpu.memref_slice %arg5[%mul3A_31] : memref<10240xf32, #tpu.memory_space<vmem_shared>> -> memref<640xf32, #tpu.memory_space<vmem_shared>>
      tpu.enqueue_dma source(%dma_start3A_40 : memref<640xf32, #tpu.memory_space<vmem_shared>>) target(%arg9 : memref<640xf32, #tpu.memory_space<vmem>>) target_semaphore(%run_scoped3A_39 : memref<!tpu.dma_semaphore, #tpu.memory_space<semaphore_mem>>)
      %dma_wait3A = tpu.memref_slice %arg5[%mul3A_31] : memref<10240xf32, #tpu.memory_space<vmem_shared>> -> memref<640xf32, #tpu.memory_space<vmem_shared>>
      %dma_wait3A_41 = tpu.memref_slice %arg5[%mul3A_31] : memref<10240xf32, #tpu.memory_space<vmem_shared>> -> memref<640xf32, #tpu.memory_space<vmem_shared>>
      tpu.wait_dma2 semaphore(%run_scoped3A_39 : memref<!tpu.dma_semaphore, #tpu.memory_space<semaphore_mem>>) src(%dma_wait3A_41 : memref<640xf32, #tpu.memory_space<vmem_shared>>) dst(%arg9 : memref<640xf32, #tpu.memory_space<vmem>>)
      tpu.yield
    }) : () -> ()
    %mul3A_32 = arith.constant 640 : i32
    %mul3A_33 = arith.muli %arg1, %mul3A_32 : i32
    %run_scoped3A = arith.constant 0 : i32
    "tpu.region"() ({
      %run_scoped3A_39 = tpu.sem_alloc : memref<!tpu.dma_semaphore, #tpu.memory_space<semaphore_mem>>
      %dma_start3A = tpu.memref_slice %arg4[%arg0, %run_scoped3A, %mul3A_33] : memref<2x2x10240xf32, #tpu.memory_space<hbm>> -> memref<1x1x640xf32, #tpu.memory_space<hbm>>
      %dma_start3A_40 = tpu.memref_squeeze %dma_start3A : memref<1x1x640xf32, #tpu.memory_space<hbm>> -> memref<640xf32, #tpu.memory_space<hbm>>
      %dma_start3A_41 = tpu.memref_slice %arg4[%arg0, %run_scoped3A, %mul3A_33] : memref<2x2x10240xf32, #tpu.memory_space<hbm>> -> memref<1x1x640xf32, #tpu.memory_space<hbm>>
      %dma_start3A_42 = tpu.memref_squeeze %dma_start3A_41 : memref<1x1x640xf32, #tpu.memory_space<hbm>> -> memref<640xf32, #tpu.memory_space<hbm>>
      tpu.enqueue_dma source(%arg9 : memref<640xf32, #tpu.memory_space<vmem>>) target(%dma_start3A_42 : memref<640xf32, #tpu.memory_space<hbm>>) target_semaphore(%run_scoped3A_39 : memref<!tpu.dma_semaphore, #tpu.memory_space<semaphore_mem>>)
      %dma_wait3A = tpu.memref_slice %arg4[%arg0, %run_scoped3A, %mul3A_33] : memref<2x2x10240xf32, #tpu.memory_space<hbm>> -> memref<1x1x640xf32, #tpu.memory_space<hbm>>
      %dma_wait3A_43 = tpu.memref_squeeze %dma_wait3A : memref<1x1x640xf32, #tpu.memory_space<hbm>> -> memref<640xf32, #tpu.memory_space<hbm>>
      %dma_wait3A_44 = tpu.memref_slice %arg4[%arg0, %run_scoped3A, %mul3A_33] : memref<2x2x10240xf32, #tpu.memory_space<hbm>> -> memref<1x1x640xf32, #tpu.memory_space<hbm>>
      %dma_wait3A_45 = tpu.memref_squeeze %dma_wait3A_44 : memref<1x1x640xf32, #tpu.memory_space<hbm>> -> memref<640xf32, #tpu.memory_space<hbm>>
      tpu.wait_dma2 semaphore(%run_scoped3A_39 : memref<!tpu.dma_semaphore, #tpu.memory_space<semaphore_mem>>) src(%arg9 : memref<640xf32, #tpu.memory_space<vmem>>) dst(%dma_wait3A_45 : memref<640xf32, #tpu.memory_space<hbm>>)
      tpu.yield
    }) : () -> ()
    %mul3A_34 = arith.constant 640 : i32
    %mul3A_35 = arith.muli %arg1, %mul3A_34 : i32
    "tpu.region"() ({
      %run_scoped3A_39 = tpu.sem_alloc : memref<!tpu.dma_semaphore, #tpu.memory_space<semaphore_mem>>
      %dma_start3A = tpu.memref_slice %arg6[%mul3A_35] : memref<10240xf32, #tpu.memory_space<vmem_shared>> -> memref<640xf32, #tpu.memory_space<vmem_shared>>
      %dma_start3A_40 = tpu.memref_slice %arg6[%mul3A_35] : memref<10240xf32, #tpu.memory_space<vmem_shared>> -> memref<640xf32, #tpu.memory_space<vmem_shared>>
      tpu.enqueue_dma source(%dma_start3A_40 : memref<640xf32, #tpu.memory_space<vmem_shared>>) target(%arg9 : memref<640xf32, #tpu.memory_space<vmem>>) target_semaphore(%run_scoped3A_39 : memref<!tpu.dma_semaphore, #tpu.memory_space<semaphore_mem>>)
      %dma_wait3A = tpu.memref_slice %arg6[%mul3A_35] : memref<10240xf32, #tpu.memory_space<vmem_shared>> -> memref<640xf32, #tpu.memory_space<vmem_shared>>
      %dma_wait3A_41 = tpu.memref_slice %arg6[%mul3A_35] : memref<10240xf32, #tpu.memory_space<vmem_shared>> -> memref<640xf32, #tpu.memory_space<vmem_shared>>
      tpu.wait_dma2 semaphore(%run_scoped3A_39 : memref<!tpu.dma_semaphore, #tpu.memory_space<semaphore_mem>>) src(%dma_wait3A_41 : memref<640xf32, #tpu.memory_space<vmem_shared>>) dst(%arg9 : memref<640xf32, #tpu.memory_space<vmem>>)
      tpu.yield
    }) : () -> ()
    %mul3A_36 = arith.constant 640 : i32
    %mul3A_37 = arith.muli %arg1, %mul3A_36 : i32
    %run_scoped3A_38 = arith.constant 1 : i32
    "tpu.region"() ({
      %run_scoped3A_39 = tpu.sem_alloc : memref<!tpu.dma_semaphore, #tpu.memory_space<semaphore_mem>>
      %dma_start3A = tpu.memref_slice %arg4[%arg0, %run_scoped3A_38, %mul3A_37] : memref<2x2x10240xf32, #tpu.memory_space<hbm>> -> memref<1x1x640xf32, #tpu.memory_space<hbm>>
      %dma_start3A_40 = tpu.memref_squeeze %dma_start3A : memref<1x1x640xf32, #tpu.memory_space<hbm>> -> memref<640xf32, #tpu.memory_space<hbm>>
      %dma_start3A_41 = tpu.memref_slice %arg4[%arg0, %run_scoped3A_38, %mul3A_37] : memref<2x2x10240xf32, #tpu.memory_space<hbm>> -> memref<1x1x640xf32, #tpu.memory_space<hbm>>
      %dma_start3A_42 = tpu.memref_squeeze %dma_start3A_41 : memref<1x1x640xf32, #tpu.memory_space<hbm>> -> memref<640xf32, #tpu.memory_space<hbm>>
      tpu.enqueue_dma source(%arg9 : memref<640xf32, #tpu.memory_space<vmem>>) target(%dma_start3A_42 : memref<640xf32, #tpu.memory_space<hbm>>) target_semaphore(%run_scoped3A_39 : memref<!tpu.dma_semaphore, #tpu.memory_space<semaphore_mem>>)
      %dma_wait3A = tpu.memref_slice %arg4[%arg0, %run_scoped3A_38, %mul3A_37] : memref<2x2x10240xf32, #tpu.memory_space<hbm>> -> memref<1x1x640xf32, #tpu.memory_space<hbm>>
      %dma_wait3A_43 = tpu.memref_squeeze %dma_wait3A : memref<1x1x640xf32, #tpu.memory_space<hbm>> -> memref<640xf32, #tpu.memory_space<hbm>>
      %dma_wait3A_44 = tpu.memref_slice %arg4[%arg0, %run_scoped3A_38, %mul3A_37] : memref<2x2x10240xf32, #tpu.memory_space<hbm>> -> memref<1x1x640xf32, #tpu.memory_space<hbm>>
      %dma_wait3A_45 = tpu.memref_squeeze %dma_wait3A_44 : memref<1x1x640xf32, #tpu.memory_space<hbm>> -> memref<640xf32, #tpu.memory_space<hbm>>
      tpu.wait_dma2 semaphore(%run_scoped3A_39 : memref<!tpu.dma_semaphore, #tpu.memory_space<semaphore_mem>>) src(%arg9 : memref<640xf32, #tpu.memory_space<vmem>>) dst(%dma_wait3A_45 : memref<640xf32, #tpu.memory_space<hbm>>)
      tpu.yield
    }) : () -> ()
    return
  }
}

#map = affine_map<(d0, d1) -> (0, 0)>
#map1 = affine_map<(d0, d1) -> (0)>
module attributes {stable_mosaic.version = 14 : i64} {
  func.func @_gat_body(%arg0: i32, %arg1: i32, %arg2: memref<10000x128xf32, #tpu.memory_space<hbm>>, %arg3: memref<5120xi32, #tpu.memory_space<hbm>>, %arg4: memref<5120x128xf32, #tpu.memory_space<hbm>>, %arg5: memref<80xi32, #tpu.memory_space<vmem>>, %arg6: memref<80xi32, #tpu.memory_space<vmem>>, %arg7: memref<160x128xf32, #tpu.memory_space<vmem>>) attributes {dimension_semantics = [#tpu.dimension_semantics<core_parallel>, #tpu.dimension_semantics<subcore_parallel>], iteration_bounds = array<i64: 2, 16>, scalar_prefetch = 0 : i64, scratch_operands = 3 : i64, tpu.core_type = #tpu.core_type<sc_vector_subcore>, window_params = [{transform_indices = #map}, {transform_indices = #map1}, {transform_indices = #map}]} {
    %mul3A = arith.constant 16 : i32
    %mul3A_0 = arith.muli %arg0, %mul3A : i32
    %add3A = arith.addi %mul3A_0, %arg1 : i32
    %mul3A_1 = arith.constant 160 : i32
    %mul3A_2 = arith.muli %add3A, %mul3A_1 : i32
    "tpu.region"() ({
      %run_scoped3A = tpu.sem_alloc : memref<!tpu.dma_semaphore, #tpu.memory_space<semaphore_mem>>
      %dma_start3A = tpu.memref_slice %arg3[%mul3A_2] : memref<5120xi32, #tpu.memory_space<hbm>> -> memref<80xi32, #tpu.memory_space<hbm>>
      %dma_start3A_5 = tpu.memref_slice %arg3[%mul3A_2] : memref<5120xi32, #tpu.memory_space<hbm>> -> memref<80xi32, #tpu.memory_space<hbm>>
      tpu.enqueue_dma source(%dma_start3A_5 : memref<80xi32, #tpu.memory_space<hbm>>) target(%arg5 : memref<80xi32, #tpu.memory_space<vmem>>) target_semaphore(%run_scoped3A : memref<!tpu.dma_semaphore, #tpu.memory_space<semaphore_mem>>)
      %dma_wait3A = tpu.memref_slice %arg3[%mul3A_2] : memref<5120xi32, #tpu.memory_space<hbm>> -> memref<80xi32, #tpu.memory_space<hbm>>
      %dma_wait3A_6 = tpu.memref_slice %arg3[%mul3A_2] : memref<5120xi32, #tpu.memory_space<hbm>> -> memref<80xi32, #tpu.memory_space<hbm>>
      tpu.wait_dma2 semaphore(%run_scoped3A : memref<!tpu.dma_semaphore, #tpu.memory_space<semaphore_mem>>) src(%dma_wait3A_6 : memref<80xi32, #tpu.memory_space<hbm>>) dst(%arg5 : memref<80xi32, #tpu.memory_space<vmem>>)
      tpu.yield
    }) : () -> ()
    %add3A_3 = arith.constant 80 : i32
    %add3A_4 = arith.addi %mul3A_2, %add3A_3 : i32
    "tpu.region"() ({
      %run_scoped3A = tpu.sem_alloc : memref<!tpu.dma_semaphore, #tpu.memory_space<semaphore_mem>>
      %dma_start3A = tpu.memref_slice %arg3[%add3A_4] : memref<5120xi32, #tpu.memory_space<hbm>> -> memref<80xi32, #tpu.memory_space<hbm>>
      %dma_start3A_5 = tpu.memref_slice %arg3[%add3A_4] : memref<5120xi32, #tpu.memory_space<hbm>> -> memref<80xi32, #tpu.memory_space<hbm>>
      tpu.enqueue_dma source(%dma_start3A_5 : memref<80xi32, #tpu.memory_space<hbm>>) target(%arg6 : memref<80xi32, #tpu.memory_space<vmem>>) target_semaphore(%run_scoped3A : memref<!tpu.dma_semaphore, #tpu.memory_space<semaphore_mem>>)
      %dma_wait3A = tpu.memref_slice %arg3[%add3A_4] : memref<5120xi32, #tpu.memory_space<hbm>> -> memref<80xi32, #tpu.memory_space<hbm>>
      %dma_wait3A_6 = tpu.memref_slice %arg3[%add3A_4] : memref<5120xi32, #tpu.memory_space<hbm>> -> memref<80xi32, #tpu.memory_space<hbm>>
      tpu.wait_dma2 semaphore(%run_scoped3A : memref<!tpu.dma_semaphore, #tpu.memory_space<semaphore_mem>>) src(%dma_wait3A_6 : memref<80xi32, #tpu.memory_space<hbm>>) dst(%arg6 : memref<80xi32, #tpu.memory_space<vmem>>)
      tpu.yield
    }) : () -> ()
    "tpu.region"() ({
      %run_scoped3A = tpu.sem_alloc : memref<!tpu.dma_semaphore, #tpu.memory_space<semaphore_mem>>
      %dma_start3A = arith.constant 0 : i32
      %dma_start3A_5 = arith.constant 0 : i32
      %dma_start3A_6 = tpu.memref_slice %arg7[%dma_start3A, %dma_start3A_5] : memref<160x128xf32, #tpu.memory_space<vmem>> -> memref<80x128xf32, #tpu.memory_space<vmem>>
      %dma_start3A_7 = arith.constant 0 : i32
      %dma_start3A_8 = arith.constant 0 : i32
      %dma_start3A_9 = tpu.memref_slice %arg2[%dma_start3A_7, %dma_start3A_8] : memref<10000x128xf32, #tpu.memory_space<hbm>> -> memref<10000x128xf32, #tpu.memory_space<hbm>>
      tpu.enqueue_indirect_dma source(%dma_start3A_9 : memref<10000x128xf32, #tpu.memory_space<hbm>>) target(%dma_start3A_6 : memref<80x128xf32, #tpu.memory_space<vmem>>) offsets(%arg5 : memref<80xi32, #tpu.memory_space<vmem>>) semaphore(%run_scoped3A : memref<!tpu.dma_semaphore, #tpu.memory_space<semaphore_mem>>)
      %dma_wait3A = arith.constant 0 : i32
      %dma_wait3A_10 = arith.constant 0 : i32
      %dma_wait3A_11 = tpu.memref_slice %arg7[%dma_wait3A, %dma_wait3A_10] : memref<160x128xf32, #tpu.memory_space<vmem>> -> memref<80x128xf32, #tpu.memory_space<vmem>>
      %dma_wait3A_12 = arith.constant 0 : i32
      %dma_wait3A_13 = arith.constant 0 : i32
      %dma_wait3A_14 = tpu.memref_slice %arg2[%dma_wait3A_12, %dma_wait3A_13] : memref<10000x128xf32, #tpu.memory_space<hbm>> -> memref<10000x128xf32, #tpu.memory_space<hbm>>
      tpu.wait_indirect_dma semaphore(%run_scoped3A : memref<!tpu.dma_semaphore, #tpu.memory_space<semaphore_mem>>) src(%dma_wait3A_14 : memref<10000x128xf32, #tpu.memory_space<hbm>>) dst(%dma_wait3A_11 : memref<80x128xf32, #tpu.memory_space<vmem>>)
      tpu.yield
    }) : () -> ()
    "tpu.region"() ({
      %run_scoped3A = tpu.sem_alloc : memref<!tpu.dma_semaphore, #tpu.memory_space<semaphore_mem>>
      %dma_start3A = arith.constant 80 : i32
      %dma_start3A_5 = arith.constant 0 : i32
      %dma_start3A_6 = tpu.memref_slice %arg7[%dma_start3A, %dma_start3A_5] : memref<160x128xf32, #tpu.memory_space<vmem>> -> memref<80x128xf32, #tpu.memory_space<vmem>>
      %dma_start3A_7 = arith.constant 0 : i32
      %dma_start3A_8 = arith.constant 0 : i32
      %dma_start3A_9 = tpu.memref_slice %arg2[%dma_start3A_7, %dma_start3A_8] : memref<10000x128xf32, #tpu.memory_space<hbm>> -> memref<10000x128xf32, #tpu.memory_space<hbm>>
      tpu.enqueue_indirect_dma source(%dma_start3A_9 : memref<10000x128xf32, #tpu.memory_space<hbm>>) target(%dma_start3A_6 : memref<80x128xf32, #tpu.memory_space<vmem>>) offsets(%arg6 : memref<80xi32, #tpu.memory_space<vmem>>) semaphore(%run_scoped3A : memref<!tpu.dma_semaphore, #tpu.memory_space<semaphore_mem>>)
      %dma_wait3A = arith.constant 80 : i32
      %dma_wait3A_10 = arith.constant 0 : i32
      %dma_wait3A_11 = tpu.memref_slice %arg7[%dma_wait3A, %dma_wait3A_10] : memref<160x128xf32, #tpu.memory_space<vmem>> -> memref<80x128xf32, #tpu.memory_space<vmem>>
      %dma_wait3A_12 = arith.constant 0 : i32
      %dma_wait3A_13 = arith.constant 0 : i32
      %dma_wait3A_14 = tpu.memref_slice %arg2[%dma_wait3A_12, %dma_wait3A_13] : memref<10000x128xf32, #tpu.memory_space<hbm>> -> memref<10000x128xf32, #tpu.memory_space<hbm>>
      tpu.wait_indirect_dma semaphore(%run_scoped3A : memref<!tpu.dma_semaphore, #tpu.memory_space<semaphore_mem>>) src(%dma_wait3A_14 : memref<10000x128xf32, #tpu.memory_space<hbm>>) dst(%dma_wait3A_11 : memref<80x128xf32, #tpu.memory_space<vmem>>)
      tpu.yield
    }) : () -> ()
    "tpu.region"() ({
      %run_scoped3A = tpu.sem_alloc : memref<!tpu.dma_semaphore, #tpu.memory_space<semaphore_mem>>
      %dma_start3A = arith.constant 0 : i32
      %dma_start3A_5 = tpu.memref_slice %arg4[%mul3A_2, %dma_start3A] : memref<5120x128xf32, #tpu.memory_space<hbm>> -> memref<160x128xf32, #tpu.memory_space<hbm>>
      %dma_start3A_6 = arith.constant 0 : i32
      %dma_start3A_7 = tpu.memref_slice %arg4[%mul3A_2, %dma_start3A_6] : memref<5120x128xf32, #tpu.memory_space<hbm>> -> memref<160x128xf32, #tpu.memory_space<hbm>>
      tpu.enqueue_dma source(%arg7 : memref<160x128xf32, #tpu.memory_space<vmem>>) target(%dma_start3A_7 : memref<160x128xf32, #tpu.memory_space<hbm>>) target_semaphore(%run_scoped3A : memref<!tpu.dma_semaphore, #tpu.memory_space<semaphore_mem>>)
      %dma_wait3A = arith.constant 0 : i32
      %dma_wait3A_8 = tpu.memref_slice %arg4[%mul3A_2, %dma_wait3A] : memref<5120x128xf32, #tpu.memory_space<hbm>> -> memref<160x128xf32, #tpu.memory_space<hbm>>
      %dma_wait3A_9 = arith.constant 0 : i32
      %dma_wait3A_10 = tpu.memref_slice %arg4[%mul3A_2, %dma_wait3A_9] : memref<5120x128xf32, #tpu.memory_space<hbm>> -> memref<160x128xf32, #tpu.memory_space<hbm>>
      tpu.wait_dma2 semaphore(%run_scoped3A : memref<!tpu.dma_semaphore, #tpu.memory_space<semaphore_mem>>) src(%arg7 : memref<160x128xf32, #tpu.memory_space<vmem>>) dst(%dma_wait3A_10 : memref<160x128xf32, #tpu.memory_space<hbm>>)
      tpu.yield
    }) : () -> ()
    return
  }
}

#map = affine_map<(d0, d1) -> (0)>
#map1 = affine_map<(d0, d1) -> (0, 0)>
#map2 = affine_map<(d0, d1) -> (0, 0, 0)>
module attributes {stable_mosaic.version = 14 : i64} {
  func.func @_agg_body(%arg0: i32, %arg1: i32, %arg2: memref<320000xi32, #tpu.memory_space<hbm>>, %arg3: memref<320000xi32, #tpu.memory_space<hbm>>, %arg4: memref<10240x128xf32, #tpu.memory_space<hbm>>, %arg5: memref<2x10240x128xf32, #tpu.memory_space<hbm>>, %arg6: memref<10240x128xf32, #tpu.memory_space<vmem_shared>>, %arg7: memref<128xi32, #tpu.memory_space<vmem>>, %arg8: memref<128xi32, #tpu.memory_space<vmem>>, %arg9: memref<128x128xf32, #tpu.memory_space<vmem>>) attributes {dimension_semantics = [#tpu.dimension_semantics<core_parallel>, #tpu.dimension_semantics<subcore_parallel>], iteration_bounds = array<i64: 2, 16>, scalar_prefetch = 0 : i64, scratch_operands = 4 : i64, tpu.core_type = #tpu.core_type<sc_vector_subcore>, window_params = [{transform_indices = #map}, {transform_indices = #map}, {transform_indices = #map1}, {transform_indices = #map2}]} {
    %mul3A = arith.constant 16 : i32
    %mul3A_0 = arith.muli %arg0, %mul3A : i32
    %add3A = arith.addi %mul3A_0, %arg1 : i32
    %scan3A = arith.constant 0 : i32
    %scan3A_1 = arith.constant 0 : i32
    %scan3A_2 = arith.constant 1024 : i32
    %scan3A_3 = arith.addi %scan3A_1, %scan3A_2 : i32
    %scan3A_4 = arith.constant 1 : i32
    scf.for %scan3A_80 = %scan3A_1 to %scan3A_3 step %scan3A_4  : i32 {
      %jit3A_81 = arith.constant 8 : i32
      %div3A = arith.divsi %scan3A_80, %jit3A_81 : i32
      %sign3A = arith.constant 0 : i32
      %sign3A_82 = arith.cmpi sgt, %scan3A_80, %sign3A : i32
      %sign3A_83 = arith.extui %sign3A_82 : i1 to i32
      %sign3A_84 = arith.constant 0 : i32
      %sign3A_85 = arith.cmpi slt, %scan3A_80, %sign3A_84 : i32
      %sign3A_86 = arith.extui %sign3A_85 : i1 to i32
      %sign3A_87 = arith.subi %sign3A_83, %sign3A_86 : i32
      %sign3A_88 = arith.constant 0 : i32
      %sign3A_89 = arith.cmpi sgt, %jit3A_81, %sign3A_88 : i32
      %sign3A_90 = arith.extui %sign3A_89 : i1 to i32
      %sign3A_91 = arith.constant 0 : i32
      %sign3A_92 = arith.cmpi slt, %jit3A_81, %sign3A_91 : i32
      %sign3A_93 = arith.extui %sign3A_92 : i1 to i32
      %sign3A_94 = arith.subi %sign3A_90, %sign3A_93 : i32
      %ne3A = arith.cmpi ne, %sign3A_87, %sign3A_94 : i32
      %rem3A = arith.remsi %scan3A_80, %jit3A_81 : i32
      %ne3A_95 = arith.constant 0 : i32
      %ne3A_96 = arith.cmpi ne, %rem3A, %ne3A_95 : i32
      %and3A = arith.andi %ne3A, %ne3A_96 : i1
      %sub3A = arith.constant 1 : i32
      %sub3A_97 = arith.subi %div3A, %sub3A : i32
      %select_n3A_98 = arith.select %and3A, %sub3A_97, %div3A : i32
      %jit3A_99 = arith.constant 8 : i32
      %eq3A = arith.constant 0 : i32
      %eq3A_100 = arith.cmpi eq, %jit3A_99, %eq3A : i32
      %jit3A_101 = arith.constant 1 : i32
      %select_n3A_102 = arith.select %eq3A_100, %jit3A_101, %jit3A_99 : i32
      %rem3A_103 = arith.remsi %scan3A_80, %select_n3A_102 : i32
      %ne3A_104 = arith.constant 0 : i32
      %ne3A_105 = arith.cmpi ne, %rem3A_103, %ne3A_104 : i32
      %lt3A_106 = arith.constant 0 : i32
      %lt3A_107 = arith.cmpi slt, %rem3A_103, %lt3A_106 : i32
      %lt3A_108 = arith.constant 0 : i32
      %lt3A_109 = arith.cmpi slt, %select_n3A_102, %lt3A_108 : i32
      %ne3A_110 = arith.xori %lt3A_107, %lt3A_109 : i1
      %and3A_111 = arith.andi %ne3A_110, %ne3A_105 : i1
      %add3A_112 = arith.addi %rem3A_103, %select_n3A_102 : i32
      %select_n3A_113 = arith.select %and3A_111, %add3A_112, %rem3A_103 : i32
      %broadcast_in_dim3A = arith.constant 0.000000e+00 : f32
      %broadcast_in_dim3A_114 = vector.broadcast %broadcast_in_dim3A : f32 to vector<16xf32>
      %mul3A_115 = arith.constant 16 : i32
      %mul3A_116 = arith.muli %select_n3A_113, %mul3A_115 : i32
      %swap3A = arith.index_cast %select_n3A_98 : i32 to index
      %swap3A_117 = arith.index_cast %mul3A_116 : i32 to index
      %swap3A_118 = tpu.vector_load %arg9[%swap3A, %swap3A_117] {strides = array<i32>} : memref<128x128xf32, #tpu.memory_space<vmem>>, vector<1x16xf32>,
      %swap3A_119 = vector.shape_cast %swap3A_118 : vector<1x16xf32> to vector<16xf32>
      %swap3A_120 = vector.shape_cast %broadcast_in_dim3A_114 : vector<16xf32> to vector<1x16xf32>
      tpu.vector_store %arg9[%swap3A, %swap3A_117], %swap3A_120 {strides = array<i32>} : memref<128x128xf32, #tpu.memory_space<vmem>>, vector<1x16xf32>,
    }
    %scan3A_5 = arith.constant 1024 : i32
    %mul3A_6 = arith.constant 640 : i32
    %mul3A_7 = arith.muli %arg1, %mul3A_6 : i32
    %add3A_8 = arith.constant 0 : i32
    %add3A_9 = arith.addi %mul3A_7, %add3A_8 : i32
    "tpu.region"() ({
      %run_scoped3A = tpu.sem_alloc : memref<!tpu.dma_semaphore, #tpu.memory_space<semaphore_mem>>
      %dma_start3A = arith.constant 0 : i32
      %dma_start3A_80 = tpu.memref_slice %arg6[%add3A_9, %dma_start3A] : memref<10240x128xf32, #tpu.memory_space<vmem_shared>> -> memref<128x128xf32, #tpu.memory_space<vmem_shared>>
      %dma_start3A_81 = arith.constant 0 : i32
      %dma_start3A_82 = tpu.memref_slice %arg6[%add3A_9, %dma_start3A_81] : memref<10240x128xf32, #tpu.memory_space<vmem_shared>> -> memref<128x128xf32, #tpu.memory_space<vmem_shared>>
      tpu.enqueue_dma source(%arg9 : memref<128x128xf32, #tpu.memory_space<vmem>>) target(%dma_start3A_82 : memref<128x128xf32, #tpu.memory_space<vmem_shared>>) target_semaphore(%run_scoped3A : memref<!tpu.dma_semaphore, #tpu.memory_space<semaphore_mem>>)
      %dma_wait3A = arith.constant 0 : i32
      %dma_wait3A_83 = tpu.memref_slice %arg6[%add3A_9, %dma_wait3A] : memref<10240x128xf32, #tpu.memory_space<vmem_shared>> -> memref<128x128xf32, #tpu.memory_space<vmem_shared>>
      %dma_wait3A_84 = arith.constant 0 : i32
      %dma_wait3A_85 = tpu.memref_slice %arg6[%add3A_9, %dma_wait3A_84] : memref<10240x128xf32, #tpu.memory_space<vmem_shared>> -> memref<128x128xf32, #tpu.memory_space<vmem_shared>>
      tpu.wait_dma2 semaphore(%run_scoped3A : memref<!tpu.dma_semaphore, #tpu.memory_space<semaphore_mem>>) src(%arg9 : memref<128x128xf32, #tpu.memory_space<vmem>>) dst(%dma_wait3A_85 : memref<128x128xf32, #tpu.memory_space<vmem_shared>>)
      tpu.yield
    }) : () -> ()
    %mul3A_10 = arith.constant 640 : i32
    %mul3A_11 = arith.muli %arg1, %mul3A_10 : i32
    %add3A_12 = arith.constant 128 : i32
    %add3A_13 = arith.addi %mul3A_11, %add3A_12 : i32
    "tpu.region"() ({
      %run_scoped3A = tpu.sem_alloc : memref<!tpu.dma_semaphore, #tpu.memory_space<semaphore_mem>>
      %dma_start3A = arith.constant 0 : i32
      %dma_start3A_80 = tpu.memref_slice %arg6[%add3A_13, %dma_start3A] : memref<10240x128xf32, #tpu.memory_space<vmem_shared>> -> memref<128x128xf32, #tpu.memory_space<vmem_shared>>
      %dma_start3A_81 = arith.constant 0 : i32
      %dma_start3A_82 = tpu.memref_slice %arg6[%add3A_13, %dma_start3A_81] : memref<10240x128xf32, #tpu.memory_space<vmem_shared>> -> memref<128x128xf32, #tpu.memory_space<vmem_shared>>
      tpu.enqueue_dma source(%arg9 : memref<128x128xf32, #tpu.memory_space<vmem>>) target(%dma_start3A_82 : memref<128x128xf32, #tpu.memory_space<vmem_shared>>) target_semaphore(%run_scoped3A : memref<!tpu.dma_semaphore, #tpu.memory_space<semaphore_mem>>)
      %dma_wait3A = arith.constant 0 : i32
      %dma_wait3A_83 = tpu.memref_slice %arg6[%add3A_13, %dma_wait3A] : memref<10240x128xf32, #tpu.memory_space<vmem_shared>> -> memref<128x128xf32, #tpu.memory_space<vmem_shared>>
      %dma_wait3A_84 = arith.constant 0 : i32
      %dma_wait3A_85 = tpu.memref_slice %arg6[%add3A_13, %dma_wait3A_84] : memref<10240x128xf32, #tpu.memory_space<vmem_shared>> -> memref<128x128xf32, #tpu.memory_space<vmem_shared>>
      tpu.wait_dma2 semaphore(%run_scoped3A : memref<!tpu.dma_semaphore, #tpu.memory_space<semaphore_mem>>) src(%arg9 : memref<128x128xf32, #tpu.memory_space<vmem>>) dst(%dma_wait3A_85 : memref<128x128xf32, #tpu.memory_space<vmem_shared>>)
      tpu.yield
    }) : () -> ()
    %mul3A_14 = arith.constant 640 : i32
    %mul3A_15 = arith.muli %arg1, %mul3A_14 : i32
    %add3A_16 = arith.constant 256 : i32
    %add3A_17 = arith.addi %mul3A_15, %add3A_16 : i32
    "tpu.region"() ({
      %run_scoped3A = tpu.sem_alloc : memref<!tpu.dma_semaphore, #tpu.memory_space<semaphore_mem>>
      %dma_start3A = arith.constant 0 : i32
      %dma_start3A_80 = tpu.memref_slice %arg6[%add3A_17, %dma_start3A] : memref<10240x128xf32, #tpu.memory_space<vmem_shared>> -> memref<128x128xf32, #tpu.memory_space<vmem_shared>>
      %dma_start3A_81 = arith.constant 0 : i32
      %dma_start3A_82 = tpu.memref_slice %arg6[%add3A_17, %dma_start3A_81] : memref<10240x128xf32, #tpu.memory_space<vmem_shared>> -> memref<128x128xf32, #tpu.memory_space<vmem_shared>>
      tpu.enqueue_dma source(%arg9 : memref<128x128xf32, #tpu.memory_space<vmem>>) target(%dma_start3A_82 : memref<128x128xf32, #tpu.memory_space<vmem_shared>>) target_semaphore(%run_scoped3A : memref<!tpu.dma_semaphore, #tpu.memory_space<semaphore_mem>>)
      %dma_wait3A = arith.constant 0 : i32
      %dma_wait3A_83 = tpu.memref_slice %arg6[%add3A_17, %dma_wait3A] : memref<10240x128xf32, #tpu.memory_space<vmem_shared>> -> memref<128x128xf32, #tpu.memory_space<vmem_shared>>
      %dma_wait3A_84 = arith.constant 0 : i32
      %dma_wait3A_85 = tpu.memref_slice %arg6[%add3A_17, %dma_wait3A_84] : memref<10240x128xf32, #tpu.memory_space<vmem_shared>> -> memref<128x128xf32, #tpu.memory_space<vmem_shared>>
      tpu.wait_dma2 semaphore(%run_scoped3A : memref<!tpu.dma_semaphore, #tpu.memory_space<semaphore_mem>>) src(%arg9 : memref<128x128xf32, #tpu.memory_space<vmem>>) dst(%dma_wait3A_85 : memref<128x128xf32, #tpu.memory_space<vmem_shared>>)
      tpu.yield
    }) : () -> ()
    %mul3A_18 = arith.constant 640 : i32
    %mul3A_19 = arith.muli %arg1, %mul3A_18 : i32
    %add3A_20 = arith.constant 384 : i32
    %add3A_21 = arith.addi %mul3A_19, %add3A_20 : i32
    "tpu.region"() ({
      %run_scoped3A = tpu.sem_alloc : memref<!tpu.dma_semaphore, #tpu.memory_space<semaphore_mem>>
      %dma_start3A = arith.constant 0 : i32
      %dma_start3A_80 = tpu.memref_slice %arg6[%add3A_21, %dma_start3A] : memref<10240x128xf32, #tpu.memory_space<vmem_shared>> -> memref<128x128xf32, #tpu.memory_space<vmem_shared>>
      %dma_start3A_81 = arith.constant 0 : i32
      %dma_start3A_82 = tpu.memref_slice %arg6[%add3A_21, %dma_start3A_81] : memref<10240x128xf32, #tpu.memory_space<vmem_shared>> -> memref<128x128xf32, #tpu.memory_space<vmem_shared>>
      tpu.enqueue_dma source(%arg9 : memref<128x128xf32, #tpu.memory_space<vmem>>) target(%dma_start3A_82 : memref<128x128xf32, #tpu.memory_space<vmem_shared>>) target_semaphore(%run_scoped3A : memref<!tpu.dma_semaphore, #tpu.memory_space<semaphore_mem>>)
      %dma_wait3A = arith.constant 0 : i32
      %dma_wait3A_83 = tpu.memref_slice %arg6[%add3A_21, %dma_wait3A] : memref<10240x128xf32, #tpu.memory_space<vmem_shared>> -> memref<128x128xf32, #tpu.memory_space<vmem_shared>>
      %dma_wait3A_84 = arith.constant 0 : i32
      %dma_wait3A_85 = tpu.memref_slice %arg6[%add3A_21, %dma_wait3A_84] : memref<10240x128xf32, #tpu.memory_space<vmem_shared>> -> memref<128x128xf32, #tpu.memory_space<vmem_shared>>
      tpu.wait_dma2 semaphore(%run_scoped3A : memref<!tpu.dma_semaphore, #tpu.memory_space<semaphore_mem>>) src(%arg9 : memref<128x128xf32, #tpu.memory_space<vmem>>) dst(%dma_wait3A_85 : memref<128x128xf32, #tpu.memory_space<vmem_shared>>)
      tpu.yield
    }) : () -> ()
    %mul3A_22 = arith.constant 640 : i32
    %mul3A_23 = arith.muli %arg1, %mul3A_22 : i32
    %add3A_24 = arith.constant 512 : i32
    %add3A_25 = arith.addi %mul3A_23, %add3A_24 : i32
    "tpu.region"() ({
      %run_scoped3A = tpu.sem_alloc : memref<!tpu.dma_semaphore, #tpu.memory_space<semaphore_mem>>
      %dma_start3A = arith.constant 0 : i32
      %dma_start3A_80 = tpu.memref_slice %arg6[%add3A_25, %dma_start3A] : memref<10240x128xf32, #tpu.memory_space<vmem_shared>> -> memref<128x128xf32, #tpu.memory_space<vmem_shared>>
      %dma_start3A_81 = arith.constant 0 : i32
      %dma_start3A_82 = tpu.memref_slice %arg6[%add3A_25, %dma_start3A_81] : memref<10240x128xf32, #tpu.memory_space<vmem_shared>> -> memref<128x128xf32, #tpu.memory_space<vmem_shared>>
      tpu.enqueue_dma source(%arg9 : memref<128x128xf32, #tpu.memory_space<vmem>>) target(%dma_start3A_82 : memref<128x128xf32, #tpu.memory_space<vmem_shared>>) target_semaphore(%run_scoped3A : memref<!tpu.dma_semaphore, #tpu.memory_space<semaphore_mem>>)
      %dma_wait3A = arith.constant 0 : i32
      %dma_wait3A_83 = tpu.memref_slice %arg6[%add3A_25, %dma_wait3A] : memref<10240x128xf32, #tpu.memory_space<vmem_shared>> -> memref<128x128xf32, #tpu.memory_space<vmem_shared>>
      %dma_wait3A_84 = arith.constant 0 : i32
      %dma_wait3A_85 = tpu.memref_slice %arg6[%add3A_25, %dma_wait3A_84] : memref<10240x128xf32, #tpu.memory_space<vmem_shared>> -> memref<128x128xf32, #tpu.memory_space<vmem_shared>>
      tpu.wait_dma2 semaphore(%run_scoped3A : memref<!tpu.dma_semaphore, #tpu.memory_space<semaphore_mem>>) src(%arg9 : memref<128x128xf32, #tpu.memory_space<vmem>>) dst(%dma_wait3A_85 : memref<128x128xf32, #tpu.memory_space<vmem_shared>>)
      tpu.yield
    }) : () -> ()
    %barrier3A = arith.constant 0 : index
    tpu.barrier barrier_id(%barrier3A)
    %lt3A = arith.constant 4 : i32
    %lt3A_26 = arith.cmpi slt, %add3A, %lt3A : i32
    %jit3A = arith.constant 1 : i32
    %jit3A_27 = arith.constant 0 : i32
    %select_n3A = arith.select %lt3A_26, %jit3A, %jit3A_27 : i32
    %add3A_28 = arith.constant 78 : i32
    %add3A_29 = arith.addi %add3A_28, %select_n3A : i32
    %while3A = arith.constant 0 : i32
    %while3A_30 = arith.constant 0 : i32
    %while3A_31 = arith.subi %add3A_29, %while3A_30 : i32
    %while3A_32 = arith.addi %while3A_30, %while3A_31 : i32
    %while3A_33 = arith.constant 1 : i32
    %while3A_34 = arith.divsi %while3A_31, %while3A_33 : i32
    %while3A_35 = arith.muli %while3A_34, %while3A_33 : i32
    %while3A_36 = arith.addi %while3A_30, %while3A_35 : i32
    %while3A_37 = arith.constant 1 : i32
    scf.for %while3A_80 = %while3A_30 to %while3A_36 step %while3A_37  : i32 {
      %mul3A_81 = arith.constant 32 : i32
      %mul3A_82 = arith.muli %while3A_80, %mul3A_81 : i32
      %add3A_83 = arith.addi %add3A, %mul3A_82 : i32
      %mul3A_84 = arith.constant 128 : i32
      %mul3A_85 = arith.muli %add3A_83, %mul3A_84 : i32
      "tpu.region"() ({
        %run_scoped3A = tpu.sem_alloc : memref<!tpu.dma_semaphore, #tpu.memory_space<semaphore_mem>>
        %dma_start3A = tpu.memref_slice %arg2[%mul3A_85] : memref<320000xi32, #tpu.memory_space<hbm>> -> memref<128xi32, #tpu.memory_space<hbm>>
        %dma_start3A_86 = tpu.memref_slice %arg2[%mul3A_85] : memref<320000xi32, #tpu.memory_space<hbm>> -> memref<128xi32, #tpu.memory_space<hbm>>
        tpu.enqueue_dma source(%dma_start3A_86 : memref<128xi32, #tpu.memory_space<hbm>>) target(%arg7 : memref<128xi32, #tpu.memory_space<vmem>>) target_semaphore(%run_scoped3A : memref<!tpu.dma_semaphore, #tpu.memory_space<semaphore_mem>>)
        %dma_wait3A = tpu.memref_slice %arg2[%mul3A_85] : memref<320000xi32, #tpu.memory_space<hbm>> -> memref<128xi32, #tpu.memory_space<hbm>>
        %dma_wait3A_87 = tpu.memref_slice %arg2[%mul3A_85] : memref<320000xi32, #tpu.memory_space<hbm>> -> memref<128xi32, #tpu.memory_space<hbm>>
        tpu.wait_dma2 semaphore(%run_scoped3A : memref<!tpu.dma_semaphore, #tpu.memory_space<semaphore_mem>>) src(%dma_wait3A_87 : memref<128xi32, #tpu.memory_space<hbm>>) dst(%arg7 : memref<128xi32, #tpu.memory_space<vmem>>)
        tpu.yield
      }) : () -> ()
      "tpu.region"() ({
        %run_scoped3A = tpu.sem_alloc : memref<!tpu.dma_semaphore, #tpu.memory_space<semaphore_mem>>
        %dma_start3A = tpu.memref_slice %arg3[%mul3A_85] : memref<320000xi32, #tpu.memory_space<hbm>> -> memref<128xi32, #tpu.memory_space<hbm>>
        %dma_start3A_86 = tpu.memref_slice %arg3[%mul3A_85] : memref<320000xi32, #tpu.memory_space<hbm>> -> memref<128xi32, #tpu.memory_space<hbm>>
        tpu.enqueue_dma source(%dma_start3A_86 : memref<128xi32, #tpu.memory_space<hbm>>) target(%arg8 : memref<128xi32, #tpu.memory_space<vmem>>) target_semaphore(%run_scoped3A : memref<!tpu.dma_semaphore, #tpu.memory_space<semaphore_mem>>)
        %dma_wait3A = tpu.memref_slice %arg3[%mul3A_85] : memref<320000xi32, #tpu.memory_space<hbm>> -> memref<128xi32, #tpu.memory_space<hbm>>
        %dma_wait3A_87 = tpu.memref_slice %arg3[%mul3A_85] : memref<320000xi32, #tpu.memory_space<hbm>> -> memref<128xi32, #tpu.memory_space<hbm>>
        tpu.wait_dma2 semaphore(%run_scoped3A : memref<!tpu.dma_semaphore, #tpu.memory_space<semaphore_mem>>) src(%dma_wait3A_87 : memref<128xi32, #tpu.memory_space<hbm>>) dst(%arg8 : memref<128xi32, #tpu.memory_space<vmem>>)
        tpu.yield
      }) : () -> ()
      "tpu.region"() ({
        %run_scoped3A = tpu.sem_alloc : memref<!tpu.dma_semaphore, #tpu.memory_space<semaphore_mem>>
        %dma_start3A = arith.constant 0 : i32
        %dma_start3A_86 = arith.constant 0 : i32
        %dma_start3A_87 = tpu.memref_slice %arg4[%dma_start3A, %dma_start3A_86] : memref<10240x128xf32, #tpu.memory_space<hbm>> -> memref<10240x128xf32, #tpu.memory_space<hbm>>
        tpu.enqueue_indirect_dma source(%dma_start3A_87 : memref<10240x128xf32, #tpu.memory_space<hbm>>) target(%arg9 : memref<128x128xf32, #tpu.memory_space<vmem>>) offsets(%arg7 : memref<128xi32, #tpu.memory_space<vmem>>) semaphore(%run_scoped3A : memref<!tpu.dma_semaphore, #tpu.memory_space<semaphore_mem>>)
        %dma_wait3A = arith.constant 0 : i32
        %dma_wait3A_88 = arith.constant 0 : i32
        %dma_wait3A_89 = tpu.memref_slice %arg4[%dma_wait3A, %dma_wait3A_88] : memref<10240x128xf32, #tpu.memory_space<hbm>> -> memref<10240x128xf32, #tpu.memory_space<hbm>>
        tpu.wait_indirect_dma semaphore(%run_scoped3A : memref<!tpu.dma_semaphore, #tpu.memory_space<semaphore_mem>>) src(%dma_wait3A_89 : memref<10240x128xf32, #tpu.memory_space<hbm>>) dst(%arg9 : memref<128x128xf32, #tpu.memory_space<vmem>>)
        tpu.yield
      }) : () -> ()
      "tpu.region"() ({
        %run_scoped3A = tpu.sem_alloc : memref<!tpu.dma_semaphore, #tpu.memory_space<semaphore_mem>>
        %dma_start3A = arith.constant 0 : i32
        %dma_start3A_86 = arith.constant 0 : i32
        %dma_start3A_87 = tpu.memref_slice %arg6[%dma_start3A, %dma_start3A_86] : memref<10240x128xf32, #tpu.memory_space<vmem_shared>> -> memref<10240x128xf32, #tpu.memory_space<vmem_shared>>
        tpu.enqueue_indirect_dma source(%arg9 : memref<128x128xf32, #tpu.memory_space<vmem>>) target(%dma_start3A_87 : memref<10240x128xf32, #tpu.memory_space<vmem_shared>>) offsets(%arg8 : memref<128xi32, #tpu.memory_space<vmem>>) semaphore(%run_scoped3A : memref<!tpu.dma_semaphore, #tpu.memory_space<semaphore_mem>>) {add = true}
        %dma_wait3A = arith.constant 0 : i32
        %dma_wait3A_88 = arith.constant 0 : i32
        %dma_wait3A_89 = tpu.memref_slice %arg6[%dma_wait3A, %dma_wait3A_88] : memref<10240x128xf32, #tpu.memory_space<vmem_shared>> -> memref<10240x128xf32, #tpu.memory_space<vmem_shared>>
        tpu.wait_indirect_dma semaphore(%run_scoped3A : memref<!tpu.dma_semaphore, #tpu.memory_space<semaphore_mem>>) src(%arg9 : memref<128x128xf32, #tpu.memory_space<vmem>>) dst(%dma_wait3A_89 : memref<10240x128xf32, #tpu.memory_space<vmem_shared>>)
        tpu.yield
      }) : () -> ()
    }
    %while3A_38 = arith.constant 1 : i32
    scf.for %while3A_80 = %while3A_36 to %while3A_32 step %while3A_38  : i32 {
      %mul3A_81 = arith.constant 32 : i32
      %mul3A_82 = arith.muli %while3A_80, %mul3A_81 : i32
      %add3A_83 = arith.addi %add3A, %mul3A_82 : i32
      %mul3A_84 = arith.constant 128 : i32
      %mul3A_85 = arith.muli %add3A_83, %mul3A_84 : i32
      "tpu.region"() ({
        %run_scoped3A = tpu.sem_alloc : memref<!tpu.dma_semaphore, #tpu.memory_space<semaphore_mem>>
        %dma_start3A = tpu.memref_slice %arg2[%mul3A_85] : memref<320000xi32, #tpu.memory_space<hbm>> -> memref<128xi32, #tpu.memory_space<hbm>>
        %dma_start3A_86 = tpu.memref_slice %arg2[%mul3A_85] : memref<320000xi32, #tpu.memory_space<hbm>> -> memref<128xi32, #tpu.memory_space<hbm>>
        tpu.enqueue_dma source(%dma_start3A_86 : memref<128xi32, #tpu.memory_space<hbm>>) target(%arg7 : memref<128xi32, #tpu.memory_space<vmem>>) target_semaphore(%run_scoped3A : memref<!tpu.dma_semaphore, #tpu.memory_space<semaphore_mem>>)
        %dma_wait3A = tpu.memref_slice %arg2[%mul3A_85] : memref<320000xi32, #tpu.memory_space<hbm>> -> memref<128xi32, #tpu.memory_space<hbm>>
        %dma_wait3A_87 = tpu.memref_slice %arg2[%mul3A_85] : memref<320000xi32, #tpu.memory_space<hbm>> -> memref<128xi32, #tpu.memory_space<hbm>>
        tpu.wait_dma2 semaphore(%run_scoped3A : memref<!tpu.dma_semaphore, #tpu.memory_space<semaphore_mem>>) src(%dma_wait3A_87 : memref<128xi32, #tpu.memory_space<hbm>>) dst(%arg7 : memref<128xi32, #tpu.memory_space<vmem>>)
        tpu.yield
      }) : () -> ()
      "tpu.region"() ({
        %run_scoped3A = tpu.sem_alloc : memref<!tpu.dma_semaphore, #tpu.memory_space<semaphore_mem>>
        %dma_start3A = tpu.memref_slice %arg3[%mul3A_85] : memref<320000xi32, #tpu.memory_space<hbm>> -> memref<128xi32, #tpu.memory_space<hbm>>
        %dma_start3A_86 = tpu.memref_slice %arg3[%mul3A_85] : memref<320000xi32, #tpu.memory_space<hbm>> -> memref<128xi32, #tpu.memory_space<hbm>>
        tpu.enqueue_dma source(%dma_start3A_86 : memref<128xi32, #tpu.memory_space<hbm>>) target(%arg8 : memref<128xi32, #tpu.memory_space<vmem>>) target_semaphore(%run_scoped3A : memref<!tpu.dma_semaphore, #tpu.memory_space<semaphore_mem>>)
        %dma_wait3A = tpu.memref_slice %arg3[%mul3A_85] : memref<320000xi32, #tpu.memory_space<hbm>> -> memref<128xi32, #tpu.memory_space<hbm>>
        %dma_wait3A_87 = tpu.memref_slice %arg3[%mul3A_85] : memref<320000xi32, #tpu.memory_space<hbm>> -> memref<128xi32, #tpu.memory_space<hbm>>
        tpu.wait_dma2 semaphore(%run_scoped3A : memref<!tpu.dma_semaphore, #tpu.memory_space<semaphore_mem>>) src(%dma_wait3A_87 : memref<128xi32, #tpu.memory_space<hbm>>) dst(%arg8 : memref<128xi32, #tpu.memory_space<vmem>>)
        tpu.yield
      }) : () -> ()
      "tpu.region"() ({
        %run_scoped3A = tpu.sem_alloc : memref<!tpu.dma_semaphore, #tpu.memory_space<semaphore_mem>>
        %dma_start3A = arith.constant 0 : i32
        %dma_start3A_86 = arith.constant 0 : i32
        %dma_start3A_87 = tpu.memref_slice %arg4[%dma_start3A, %dma_start3A_86] : memref<10240x128xf32, #tpu.memory_space<hbm>> -> memref<10240x128xf32, #tpu.memory_space<hbm>>
        tpu.enqueue_indirect_dma source(%dma_start3A_87 : memref<10240x128xf32, #tpu.memory_space<hbm>>) target(%arg9 : memref<128x128xf32, #tpu.memory_space<vmem>>) offsets(%arg7 : memref<128xi32, #tpu.memory_space<vmem>>) semaphore(%run_scoped3A : memref<!tpu.dma_semaphore, #tpu.memory_space<semaphore_mem>>)
        %dma_wait3A = arith.constant 0 : i32
        %dma_wait3A_88 = arith.constant 0 : i32
        %dma_wait3A_89 = tpu.memref_slice %arg4[%dma_wait3A, %dma_wait3A_88] : memref<10240x128xf32, #tpu.memory_space<hbm>> -> memref<10240x128xf32, #tpu.memory_space<hbm>>
        tpu.wait_indirect_dma semaphore(%run_scoped3A : memref<!tpu.dma_semaphore, #tpu.memory_space<semaphore_mem>>) src(%dma_wait3A_89 : memref<10240x128xf32, #tpu.memory_space<hbm>>) dst(%arg9 : memref<128x128xf32, #tpu.memory_space<vmem>>)
        tpu.yield
      }) : () -> ()
      "tpu.region"() ({
        %run_scoped3A = tpu.sem_alloc : memref<!tpu.dma_semaphore, #tpu.memory_space<semaphore_mem>>
        %dma_start3A = arith.constant 0 : i32
        %dma_start3A_86 = arith.constant 0 : i32
        %dma_start3A_87 = tpu.memref_slice %arg6[%dma_start3A, %dma_start3A_86] : memref<10240x128xf32, #tpu.memory_space<vmem_shared>> -> memref<10240x128xf32, #tpu.memory_space<vmem_shared>>
        tpu.enqueue_indirect_dma source(%arg9 : memref<128x128xf32, #tpu.memory_space<vmem>>) target(%dma_start3A_87 : memref<10240x128xf32, #tpu.memory_space<vmem_shared>>) offsets(%arg8 : memref<128xi32, #tpu.memory_space<vmem>>) semaphore(%run_scoped3A : memref<!tpu.dma_semaphore, #tpu.memory_space<semaphore_mem>>) {add = true}
        %dma_wait3A = arith.constant 0 : i32
        %dma_wait3A_88 = arith.constant 0 : i32
        %dma_wait3A_89 = tpu.memref_slice %arg6[%dma_wait3A, %dma_wait3A_88] : memref<10240x128xf32, #tpu.memory_space<vmem_shared>> -> memref<10240x128xf32, #tpu.memory_space<vmem_shared>>
        tpu.wait_indirect_dma semaphore(%run_scoped3A : memref<!tpu.dma_semaphore, #tpu.memory_space<semaphore_mem>>) src(%arg9 : memref<128x128xf32, #tpu.memory_space<vmem>>) dst(%dma_wait3A_89 : memref<10240x128xf32, #tpu.memory_space<vmem_shared>>)
        tpu.yield
      }) : () -> ()
    }
    %barrier3A_39 = arith.constant 0 : index
    tpu.barrier barrier_id(%barrier3A_39)
    %mul3A_40 = arith.constant 640 : i32
    %mul3A_41 = arith.muli %arg1, %mul3A_40 : i32
    %add3A_42 = arith.constant 0 : i32
    %add3A_43 = arith.addi %mul3A_41, %add3A_42 : i32
    "tpu.region"() ({
      %run_scoped3A = tpu.sem_alloc : memref<!tpu.dma_semaphore, #tpu.memory_space<semaphore_mem>>
      %dma_start3A = arith.constant 0 : i32
      %dma_start3A_80 = tpu.memref_slice %arg6[%add3A_43, %dma_start3A] : memref<10240x128xf32, #tpu.memory_space<vmem_shared>> -> memref<128x128xf32, #tpu.memory_space<vmem_shared>>
      %dma_start3A_81 = arith.constant 0 : i32
      %dma_start3A_82 = tpu.memref_slice %arg6[%add3A_43, %dma_start3A_81] : memref<10240x128xf32, #tpu.memory_space<vmem_shared>> -> memref<128x128xf32, #tpu.memory_space<vmem_shared>>
      tpu.enqueue_dma source(%dma_start3A_82 : memref<128x128xf32, #tpu.memory_space<vmem_shared>>) target(%arg9 : memref<128x128xf32, #tpu.memory_space<vmem>>) target_semaphore(%run_scoped3A : memref<!tpu.dma_semaphore, #tpu.memory_space<semaphore_mem>>)
      %dma_wait3A = arith.constant 0 : i32
      %dma_wait3A_83 = tpu.memref_slice %arg6[%add3A_43, %dma_wait3A] : memref<10240x128xf32, #tpu.memory_space<vmem_shared>> -> memref<128x128xf32, #tpu.memory_space<vmem_shared>>
      %dma_wait3A_84 = arith.constant 0 : i32
      %dma_wait3A_85 = tpu.memref_slice %arg6[%add3A_43, %dma_wait3A_84] : memref<10240x128xf32, #tpu.memory_space<vmem_shared>> -> memref<128x128xf32, #tpu.memory_space<vmem_shared>>
      tpu.wait_dma2 semaphore(%run_scoped3A : memref<!tpu.dma_semaphore, #tpu.memory_space<semaphore_mem>>) src(%dma_wait3A_85 : memref<128x128xf32, #tpu.memory_space<vmem_shared>>) dst(%arg9 : memref<128x128xf32, #tpu.memory_space<vmem>>)
      tpu.yield
    }) : () -> ()
    %mul3A_44 = arith.constant 640 : i32
    %mul3A_45 = arith.muli %arg1, %mul3A_44 : i32
    %add3A_46 = arith.constant 0 : i32
    %add3A_47 = arith.addi %mul3A_45, %add3A_46 : i32
    "tpu.region"() ({
      %run_scoped3A = tpu.sem_alloc : memref<!tpu.dma_semaphore, #tpu.memory_space<semaphore_mem>>
      %dma_start3A = arith.constant 0 : i32
      %dma_start3A_80 = tpu.memref_slice %arg5[%arg0, %add3A_47, %dma_start3A] : memref<2x10240x128xf32, #tpu.memory_space<hbm>> -> memref<1x128x128xf32, #tpu.memory_space<hbm>>
      %dma_start3A_81 = tpu.memref_squeeze %dma_start3A_80 : memref<1x128x128xf32, #tpu.memory_space<hbm>> -> memref<128x128xf32, #tpu.memory_space<hbm>>
      %dma_start3A_82 = arith.constant 0 : i32
      %dma_start3A_83 = tpu.memref_slice %arg5[%arg0, %add3A_47, %dma_start3A_82] : memref<2x10240x128xf32, #tpu.memory_space<hbm>> -> memref<1x128x128xf32, #tpu.memory_space<hbm>>
      %dma_start3A_84 = tpu.memref_squeeze %dma_start3A_83 : memref<1x128x128xf32, #tpu.memory_space<hbm>> -> memref<128x128xf32, #tpu.memory_space<hbm>>
      tpu.enqueue_dma source(%arg9 : memref<128x128xf32, #tpu.memory_space<vmem>>) target(%dma_start3A_84 : memref<128x128xf32, #tpu.memory_space<hbm>>) target_semaphore(%run_scoped3A : memref<!tpu.dma_semaphore, #tpu.memory_space<semaphore_mem>>)
      %dma_wait3A = arith.constant 0 : i32
      %dma_wait3A_85 = tpu.memref_slice %arg5[%arg0, %add3A_47, %dma_wait3A] : memref<2x10240x128xf32, #tpu.memory_space<hbm>> -> memref<1x128x128xf32, #tpu.memory_space<hbm>>
      %dma_wait3A_86 = tpu.memref_squeeze %dma_wait3A_85 : memref<1x128x128xf32, #tpu.memory_space<hbm>> -> memref<128x128xf32, #tpu.memory_space<hbm>>
      %dma_wait3A_87 = arith.constant 0 : i32
      %dma_wait3A_88 = tpu.memref_slice %arg5[%arg0, %add3A_47, %dma_wait3A_87] : memref<2x10240x128xf32, #tpu.memory_space<hbm>> -> memref<1x128x128xf32, #tpu.memory_space<hbm>>
      %dma_wait3A_89 = tpu.memref_squeeze %dma_wait3A_88 : memref<1x128x128xf32, #tpu.memory_space<hbm>> -> memref<128x128xf32, #tpu.memory_space<hbm>>
      tpu.wait_dma2 semaphore(%run_scoped3A : memref<!tpu.dma_semaphore, #tpu.memory_space<semaphore_mem>>) src(%arg9 : memref<128x128xf32, #tpu.memory_space<vmem>>) dst(%dma_wait3A_89 : memref<128x128xf32, #tpu.memory_space<hbm>>)
      tpu.yield
    }) : () -> ()
    %mul3A_48 = arith.constant 640 : i32
    %mul3A_49 = arith.muli %arg1, %mul3A_48 : i32
    %add3A_50 = arith.constant 128 : i32
    %add3A_51 = arith.addi %mul3A_49, %add3A_50 : i32
    "tpu.region"() ({
      %run_scoped3A = tpu.sem_alloc : memref<!tpu.dma_semaphore, #tpu.memory_space<semaphore_mem>>
      %dma_start3A = arith.constant 0 : i32
      %dma_start3A_80 = tpu.memref_slice %arg6[%add3A_51, %dma_start3A] : memref<10240x128xf32, #tpu.memory_space<vmem_shared>> -> memref<128x128xf32, #tpu.memory_space<vmem_shared>>
      %dma_start3A_81 = arith.constant 0 : i32
      %dma_start3A_82 = tpu.memref_slice %arg6[%add3A_51, %dma_start3A_81] : memref<10240x128xf32, #tpu.memory_space<vmem_shared>> -> memref<128x128xf32, #tpu.memory_space<vmem_shared>>
      tpu.enqueue_dma source(%dma_start3A_82 : memref<128x128xf32, #tpu.memory_space<vmem_shared>>) target(%arg9 : memref<128x128xf32, #tpu.memory_space<vmem>>) target_semaphore(%run_scoped3A : memref<!tpu.dma_semaphore, #tpu.memory_space<semaphore_mem>>)
      %dma_wait3A = arith.constant 0 : i32
      %dma_wait3A_83 = tpu.memref_slice %arg6[%add3A_51, %dma_wait3A] : memref<10240x128xf32, #tpu.memory_space<vmem_shared>> -> memref<128x128xf32, #tpu.memory_space<vmem_shared>>
      %dma_wait3A_84 = arith.constant 0 : i32
      %dma_wait3A_85 = tpu.memref_slice %arg6[%add3A_51, %dma_wait3A_84] : memref<10240x128xf32, #tpu.memory_space<vmem_shared>> -> memref<128x128xf32, #tpu.memory_space<vmem_shared>>
      tpu.wait_dma2 semaphore(%run_scoped3A : memref<!tpu.dma_semaphore, #tpu.memory_space<semaphore_mem>>) src(%dma_wait3A_85 : memref<128x128xf32, #tpu.memory_space<vmem_shared>>) dst(%arg9 : memref<128x128xf32, #tpu.memory_space<vmem>>)
      tpu.yield
    }) : () -> ()
    %mul3A_52 = arith.constant 640 : i32
    %mul3A_53 = arith.muli %arg1, %mul3A_52 : i32
    %add3A_54 = arith.constant 128 : i32
    %add3A_55 = arith.addi %mul3A_53, %add3A_54 : i32
    "tpu.region"() ({
      %run_scoped3A = tpu.sem_alloc : memref<!tpu.dma_semaphore, #tpu.memory_space<semaphore_mem>>
      %dma_start3A = arith.constant 0 : i32
      %dma_start3A_80 = tpu.memref_slice %arg5[%arg0, %add3A_55, %dma_start3A] : memref<2x10240x128xf32, #tpu.memory_space<hbm>> -> memref<1x128x128xf32, #tpu.memory_space<hbm>>
      %dma_start3A_81 = tpu.memref_squeeze %dma_start3A_80 : memref<1x128x128xf32, #tpu.memory_space<hbm>> -> memref<128x128xf32, #tpu.memory_space<hbm>>
      %dma_start3A_82 = arith.constant 0 : i32
      %dma_start3A_83 = tpu.memref_slice %arg5[%arg0, %add3A_55, %dma_start3A_82] : memref<2x10240x128xf32, #tpu.memory_space<hbm>> -> memref<1x128x128xf32, #tpu.memory_space<hbm>>
      %dma_start3A_84 = tpu.memref_squeeze %dma_start3A_83 : memref<1x128x128xf32, #tpu.memory_space<hbm>> -> memref<128x128xf32, #tpu.memory_space<hbm>>
      tpu.enqueue_dma source(%arg9 : memref<128x128xf32, #tpu.memory_space<vmem>>) target(%dma_start3A_84 : memref<128x128xf32, #tpu.memory_space<hbm>>) target_semaphore(%run_scoped3A : memref<!tpu.dma_semaphore, #tpu.memory_space<semaphore_mem>>)
      %dma_wait3A = arith.constant 0 : i32
      %dma_wait3A_85 = tpu.memref_slice %arg5[%arg0, %add3A_55, %dma_wait3A] : memref<2x10240x128xf32, #tpu.memory_space<hbm>> -> memref<1x128x128xf32, #tpu.memory_space<hbm>>
      %dma_wait3A_86 = tpu.memref_squeeze %dma_wait3A_85 : memref<1x128x128xf32, #tpu.memory_space<hbm>> -> memref<128x128xf32, #tpu.memory_space<hbm>>
      %dma_wait3A_87 = arith.constant 0 : i32
      %dma_wait3A_88 = tpu.memref_slice %arg5[%arg0, %add3A_55, %dma_wait3A_87] : memref<2x10240x128xf32, #tpu.memory_space<hbm>> -> memref<1x128x128xf32, #tpu.memory_space<hbm>>
      %dma_wait3A_89 = tpu.memref_squeeze %dma_wait3A_88 : memref<1x128x128xf32, #tpu.memory_space<hbm>> -> memref<128x128xf32, #tpu.memory_space<hbm>>
      tpu.wait_dma2 semaphore(%run_scoped3A : memref<!tpu.dma_semaphore, #tpu.memory_space<semaphore_mem>>) src(%arg9 : memref<128x128xf32, #tpu.memory_space<vmem>>) dst(%dma_wait3A_89 : memref<128x128xf32, #tpu.memory_space<hbm>>)
      tpu.yield
    }) : () -> ()
    %mul3A_56 = arith.constant 640 : i32
    %mul3A_57 = arith.muli %arg1, %mul3A_56 : i32
    %add3A_58 = arith.constant 256 : i32
    %add3A_59 = arith.addi %mul3A_57, %add3A_58 : i32
    "tpu.region"() ({
      %run_scoped3A = tpu.sem_alloc : memref<!tpu.dma_semaphore, #tpu.memory_space<semaphore_mem>>
      %dma_start3A = arith.constant 0 : i32
      %dma_start3A_80 = tpu.memref_slice %arg6[%add3A_59, %dma_start3A] : memref<10240x128xf32, #tpu.memory_space<vmem_shared>> -> memref<128x128xf32, #tpu.memory_space<vmem_shared>>
      %dma_start3A_81 = arith.constant 0 : i32
      %dma_start3A_82 = tpu.memref_slice %arg6[%add3A_59, %dma_start3A_81] : memref<10240x128xf32, #tpu.memory_space<vmem_shared>> -> memref<128x128xf32, #tpu.memory_space<vmem_shared>>
      tpu.enqueue_dma source(%dma_start3A_82 : memref<128x128xf32, #tpu.memory_space<vmem_shared>>) target(%arg9 : memref<128x128xf32, #tpu.memory_space<vmem>>) target_semaphore(%run_scoped3A : memref<!tpu.dma_semaphore, #tpu.memory_space<semaphore_mem>>)
      %dma_wait3A = arith.constant 0 : i32
      %dma_wait3A_83 = tpu.memref_slice %arg6[%add3A_59, %dma_wait3A] : memref<10240x128xf32, #tpu.memory_space<vmem_shared>> -> memref<128x128xf32, #tpu.memory_space<vmem_shared>>
      %dma_wait3A_84 = arith.constant 0 : i32
      %dma_wait3A_85 = tpu.memref_slice %arg6[%add3A_59, %dma_wait3A_84] : memref<10240x128xf32, #tpu.memory_space<vmem_shared>> -> memref<128x128xf32, #tpu.memory_space<vmem_shared>>
      tpu.wait_dma2 semaphore(%run_scoped3A : memref<!tpu.dma_semaphore, #tpu.memory_space<semaphore_mem>>) src(%dma_wait3A_85 : memref<128x128xf32, #tpu.memory_space<vmem_shared>>) dst(%arg9 : memref<128x128xf32, #tpu.memory_space<vmem>>)
      tpu.yield
    }) : () -> ()
    %mul3A_60 = arith.constant 640 : i32
    %mul3A_61 = arith.muli %arg1, %mul3A_60 : i32
    %add3A_62 = arith.constant 256 : i32
    %add3A_63 = arith.addi %mul3A_61, %add3A_62 : i32
    "tpu.region"() ({
      %run_scoped3A = tpu.sem_alloc : memref<!tpu.dma_semaphore, #tpu.memory_space<semaphore_mem>>
      %dma_start3A = arith.constant 0 : i32
      %dma_start3A_80 = tpu.memref_slice %arg5[%arg0, %add3A_63, %dma_start3A] : memref<2x10240x128xf32, #tpu.memory_space<hbm>> -> memref<1x128x128xf32, #tpu.memory_space<hbm>>
      %dma_start3A_81 = tpu.memref_squeeze %dma_start3A_80 : memref<1x128x128xf32, #tpu.memory_space<hbm>> -> memref<128x128xf32, #tpu.memory_space<hbm>>
      %dma_start3A_82 = arith.constant 0 : i32
      %dma_start3A_83 = tpu.memref_slice %arg5[%arg0, %add3A_63, %dma_start3A_82] : memref<2x10240x128xf32, #tpu.memory_space<hbm>> -> memref<1x128x128xf32, #tpu.memory_space<hbm>>
      %dma_start3A_84 = tpu.memref_squeeze %dma_start3A_83 : memref<1x128x128xf32, #tpu.memory_space<hbm>> -> memref<128x128xf32, #tpu.memory_space<hbm>>
      tpu.enqueue_dma source(%arg9 : memref<128x128xf32, #tpu.memory_space<vmem>>) target(%dma_start3A_84 : memref<128x128xf32, #tpu.memory_space<hbm>>) target_semaphore(%run_scoped3A : memref<!tpu.dma_semaphore, #tpu.memory_space<semaphore_mem>>)
      %dma_wait3A = arith.constant 0 : i32
      %dma_wait3A_85 = tpu.memref_slice %arg5[%arg0, %add3A_63, %dma_wait3A] : memref<2x10240x128xf32, #tpu.memory_space<hbm>> -> memref<1x128x128xf32, #tpu.memory_space<hbm>>
      %dma_wait3A_86 = tpu.memref_squeeze %dma_wait3A_85 : memref<1x128x128xf32, #tpu.memory_space<hbm>> -> memref<128x128xf32, #tpu.memory_space<hbm>>
      %dma_wait3A_87 = arith.constant 0 : i32
      %dma_wait3A_88 = tpu.memref_slice %arg5[%arg0, %add3A_63, %dma_wait3A_87] : memref<2x10240x128xf32, #tpu.memory_space<hbm>> -> memref<1x128x128xf32, #tpu.memory_space<hbm>>
      %dma_wait3A_89 = tpu.memref_squeeze %dma_wait3A_88 : memref<1x128x128xf32, #tpu.memory_space<hbm>> -> memref<128x128xf32, #tpu.memory_space<hbm>>
      tpu.wait_dma2 semaphore(%run_scoped3A : memref<!tpu.dma_semaphore, #tpu.memory_space<semaphore_mem>>) src(%arg9 : memref<128x128xf32, #tpu.memory_space<vmem>>) dst(%dma_wait3A_89 : memref<128x128xf32, #tpu.memory_space<hbm>>)
      tpu.yield
    }) : () -> ()
    %mul3A_64 = arith.constant 640 : i32
    %mul3A_65 = arith.muli %arg1, %mul3A_64 : i32
    %add3A_66 = arith.constant 384 : i32
    %add3A_67 = arith.addi %mul3A_65, %add3A_66 : i32
    "tpu.region"() ({
      %run_scoped3A = tpu.sem_alloc : memref<!tpu.dma_semaphore, #tpu.memory_space<semaphore_mem>>
      %dma_start3A = arith.constant 0 : i32
      %dma_start3A_80 = tpu.memref_slice %arg6[%add3A_67, %dma_start3A] : memref<10240x128xf32, #tpu.memory_space<vmem_shared>> -> memref<128x128xf32, #tpu.memory_space<vmem_shared>>
      %dma_start3A_81 = arith.constant 0 : i32
      %dma_start3A_82 = tpu.memref_slice %arg6[%add3A_67, %dma_start3A_81] : memref<10240x128xf32, #tpu.memory_space<vmem_shared>> -> memref<128x128xf32, #tpu.memory_space<vmem_shared>>
      tpu.enqueue_dma source(%dma_start3A_82 : memref<128x128xf32, #tpu.memory_space<vmem_shared>>) target(%arg9 : memref<128x128xf32, #tpu.memory_space<vmem>>) target_semaphore(%run_scoped3A : memref<!tpu.dma_semaphore, #tpu.memory_space<semaphore_mem>>)
      %dma_wait3A = arith.constant 0 : i32
      %dma_wait3A_83 = tpu.memref_slice %arg6[%add3A_67, %dma_wait3A] : memref<10240x128xf32, #tpu.memory_space<vmem_shared>> -> memref<128x128xf32, #tpu.memory_space<vmem_shared>>
      %dma_wait3A_84 = arith.constant 0 : i32
      %dma_wait3A_85 = tpu.memref_slice %arg6[%add3A_67, %dma_wait3A_84] : memref<10240x128xf32, #tpu.memory_space<vmem_shared>> -> memref<128x128xf32, #tpu.memory_space<vmem_shared>>
      tpu.wait_dma2 semaphore(%run_scoped3A : memref<!tpu.dma_semaphore, #tpu.memory_space<semaphore_mem>>) src(%dma_wait3A_85 : memref<128x128xf32, #tpu.memory_space<vmem_shared>>) dst(%arg9 : memref<128x128xf32, #tpu.memory_space<vmem>>)
      tpu.yield
    }) : () -> ()
    %mul3A_68 = arith.constant 640 : i32
    %mul3A_69 = arith.muli %arg1, %mul3A_68 : i32
    %add3A_70 = arith.constant 384 : i32
    %add3A_71 = arith.addi %mul3A_69, %add3A_70 : i32
    "tpu.region"() ({
      %run_scoped3A = tpu.sem_alloc : memref<!tpu.dma_semaphore, #tpu.memory_space<semaphore_mem>>
      %dma_start3A = arith.constant 0 : i32
      %dma_start3A_80 = tpu.memref_slice %arg5[%arg0, %add3A_71, %dma_start3A] : memref<2x10240x128xf32, #tpu.memory_space<hbm>> -> memref<1x128x128xf32, #tpu.memory_space<hbm>>
      %dma_start3A_81 = tpu.memref_squeeze %dma_start3A_80 : memref<1x128x128xf32, #tpu.memory_space<hbm>> -> memref<128x128xf32, #tpu.memory_space<hbm>>
      %dma_start3A_82 = arith.constant 0 : i32
      %dma_start3A_83 = tpu.memref_slice %arg5[%arg0, %add3A_71, %dma_start3A_82] : memref<2x10240x128xf32, #tpu.memory_space<hbm>> -> memref<1x128x128xf32, #tpu.memory_space<hbm>>
      %dma_start3A_84 = tpu.memref_squeeze %dma_start3A_83 : memref<1x128x128xf32, #tpu.memory_space<hbm>> -> memref<128x128xf32, #tpu.memory_space<hbm>>
      tpu.enqueue_dma source(%arg9 : memref<128x128xf32, #tpu.memory_space<vmem>>) target(%dma_start3A_84 : memref<128x128xf32, #tpu.memory_space<hbm>>) target_semaphore(%run_scoped3A : memref<!tpu.dma_semaphore, #tpu.memory_space<semaphore_mem>>)
      %dma_wait3A = arith.constant 0 : i32
      %dma_wait3A_85 = tpu.memref_slice %arg5[%arg0, %add3A_71, %dma_wait3A] : memref<2x10240x128xf32, #tpu.memory_space<hbm>> -> memref<1x128x128xf32, #tpu.memory_space<hbm>>
      %dma_wait3A_86 = tpu.memref_squeeze %dma_wait3A_85 : memref<1x128x128xf32, #tpu.memory_space<hbm>> -> memref<128x128xf32, #tpu.memory_space<hbm>>
      %dma_wait3A_87 = arith.constant 0 : i32
      %dma_wait3A_88 = tpu.memref_slice %arg5[%arg0, %add3A_71, %dma_wait3A_87] : memref<2x10240x128xf32, #tpu.memory_space<hbm>> -> memref<1x128x128xf32, #tpu.memory_space<hbm>>
      %dma_wait3A_89 = tpu.memref_squeeze %dma_wait3A_88 : memref<1x128x128xf32, #tpu.memory_space<hbm>> -> memref<128x128xf32, #tpu.memory_space<hbm>>
      tpu.wait_dma2 semaphore(%run_scoped3A : memref<!tpu.dma_semaphore, #tpu.memory_space<semaphore_mem>>) src(%arg9 : memref<128x128xf32, #tpu.memory_space<vmem>>) dst(%dma_wait3A_89 : memref<128x128xf32, #tpu.memory_space<hbm>>)
      tpu.yield
    }) : () -> ()
    %mul3A_72 = arith.constant 640 : i32
    %mul3A_73 = arith.muli %arg1, %mul3A_72 : i32
    %add3A_74 = arith.constant 512 : i32
    %add3A_75 = arith.addi %mul3A_73, %add3A_74 : i32
    "tpu.region"() ({
      %run_scoped3A = tpu.sem_alloc : memref<!tpu.dma_semaphore, #tpu.memory_space<semaphore_mem>>
      %dma_start3A = arith.constant 0 : i32
      %dma_start3A_80 = tpu.memref_slice %arg6[%add3A_75, %dma_start3A] : memref<10240x128xf32, #tpu.memory_space<vmem_shared>> -> memref<128x128xf32, #tpu.memory_space<vmem_shared>>
      %dma_start3A_81 = arith.constant 0 : i32
      %dma_start3A_82 = tpu.memref_slice %arg6[%add3A_75, %dma_start3A_81] : memref<10240x128xf32, #tpu.memory_space<vmem_shared>> -> memref<128x128xf32, #tpu.memory_space<vmem_shared>>
      tpu.enqueue_dma source(%dma_start3A_82 : memref<128x128xf32, #tpu.memory_space<vmem_shared>>) target(%arg9 : memref<128x128xf32, #tpu.memory_space<vmem>>) target_semaphore(%run_scoped3A : memref<!tpu.dma_semaphore, #tpu.memory_space<semaphore_mem>>)
      %dma_wait3A = arith.constant 0 : i32
      %dma_wait3A_83 = tpu.memref_slice %arg6[%add3A_75, %dma_wait3A] : memref<10240x128xf32, #tpu.memory_space<vmem_shared>> -> memref<128x128xf32, #tpu.memory_space<vmem_shared>>
      %dma_wait3A_84 = arith.constant 0 : i32
      %dma_wait3A_85 = tpu.memref_slice %arg6[%add3A_75, %dma_wait3A_84] : memref<10240x128xf32, #tpu.memory_space<vmem_shared>> -> memref<128x128xf32, #tpu.memory_space<vmem_shared>>
      tpu.wait_dma2 semaphore(%run_scoped3A : memref<!tpu.dma_semaphore, #tpu.memory_space<semaphore_mem>>) src(%dma_wait3A_85 : memref<128x128xf32, #tpu.memory_space<vmem_shared>>) dst(%arg9 : memref<128x128xf32, #tpu.memory_space<vmem>>)
      tpu.yield
    }) : () -> ()
    %mul3A_76 = arith.constant 640 : i32
    %mul3A_77 = arith.muli %arg1, %mul3A_76 : i32
    %add3A_78 = arith.constant 512 : i32
    %add3A_79 = arith.addi %mul3A_77, %add3A_78 : i32
    "tpu.region"() ({
      %run_scoped3A = tpu.sem_alloc : memref<!tpu.dma_semaphore, #tpu.memory_space<semaphore_mem>>
      %dma_start3A = arith.constant 0 : i32
      %dma_start3A_80 = tpu.memref_slice %arg5[%arg0, %add3A_79, %dma_start3A] : memref<2x10240x128xf32, #tpu.memory_space<hbm>> -> memref<1x128x128xf32, #tpu.memory_space<hbm>>
      %dma_start3A_81 = tpu.memref_squeeze %dma_start3A_80 : memref<1x128x128xf32, #tpu.memory_space<hbm>> -> memref<128x128xf32, #tpu.memory_space<hbm>>
      %dma_start3A_82 = arith.constant 0 : i32
      %dma_start3A_83 = tpu.memref_slice %arg5[%arg0, %add3A_79, %dma_start3A_82] : memref<2x10240x128xf32, #tpu.memory_space<hbm>> -> memref<1x128x128xf32, #tpu.memory_space<hbm>>
      %dma_start3A_84 = tpu.memref_squeeze %dma_start3A_83 : memref<1x128x128xf32, #tpu.memory_space<hbm>> -> memref<128x128xf32, #tpu.memory_space<hbm>>
      tpu.enqueue_dma source(%arg9 : memref<128x128xf32, #tpu.memory_space<vmem>>) target(%dma_start3A_84 : memref<128x128xf32, #tpu.memory_space<hbm>>) target_semaphore(%run_scoped3A : memref<!tpu.dma_semaphore, #tpu.memory_space<semaphore_mem>>)
      %dma_wait3A = arith.constant 0 : i32
      %dma_wait3A_85 = tpu.memref_slice %arg5[%arg0, %add3A_79, %dma_wait3A] : memref<2x10240x128xf32, #tpu.memory_space<hbm>> -> memref<1x128x128xf32, #tpu.memory_space<hbm>>
      %dma_wait3A_86 = tpu.memref_squeeze %dma_wait3A_85 : memref<1x128x128xf32, #tpu.memory_space<hbm>> -> memref<128x128xf32, #tpu.memory_space<hbm>>
      %dma_wait3A_87 = arith.constant 0 : i32
      %dma_wait3A_88 = tpu.memref_slice %arg5[%arg0, %add3A_79, %dma_wait3A_87] : memref<2x10240x128xf32, #tpu.memory_space<hbm>> -> memref<1x128x128xf32, #tpu.memory_space<hbm>>
      %dma_wait3A_89 = tpu.memref_squeeze %dma_wait3A_88 : memref<1x128x128xf32, #tpu.memory_space<hbm>> -> memref<128x128xf32, #tpu.memory_space<hbm>>
      tpu.wait_dma2 semaphore(%run_scoped3A : memref<!tpu.dma_semaphore, #tpu.memory_space<semaphore_mem>>) src(%arg9 : memref<128x128xf32, #tpu.memory_space<vmem>>) dst(%dma_wait3A_89 : memref<128x128xf32, #tpu.memory_space<hbm>>)
      tpu.yield
    }) : () -> ()
    return
  }
}

module attributes {stable_mosaic.version = 14 : i64} {
  func.func @_prep_body(%arg0: memref<10240x128xf32, #tpu.memory_space<vmem>>, %arg1: memref<10240x1xf32, #tpu.memory_space<vmem>>, %arg2: memref<10240x1xf32, #tpu.memory_space<vmem>>, %arg3: memref<10240x1xf32, #tpu.memory_space<vmem>>, %arg4: memref<10240x1xf32, #tpu.memory_space<vmem>>, %arg5: memref<10240x128xf32, #tpu.memory_space<vmem>>, %arg6: memref<10240x1xf32, #tpu.memory_space<vmem>>) attributes {dimension_semantics = [], scalar_prefetch = 0 : i64, scratch_operands = 0 : i64, tpu.core_type = #tpu.core_type<tc>} {
    %get3A = arith.constant 0 : index
    %get3A_0 = arith.constant 0 : index
    %get3A_1 = vector.load %arg1[%get3A, %get3A_0] : memref<10240x1xf32, #tpu.memory_space<vmem>>, vector<10240x1xf32>
    %get3A_2 = arith.constant 0 : index
    %get3A_3 = arith.constant 0 : index
    %get3A_4 = vector.load %arg2[%get3A_2, %get3A_3] : memref<10240x1xf32, #tpu.memory_space<vmem>>, vector<10240x1xf32>
    %add3A = arith.addf %get3A_1, %get3A_4 : vector<10240x1xf32>
    %get3A_5 = arith.constant 0 : index
    %get3A_6 = arith.constant 0 : index
    %get3A_7 = vector.load %arg3[%get3A_5, %get3A_6] : memref<10240x1xf32, #tpu.memory_space<vmem>>, vector<10240x1xf32>
    %get3A_8 = arith.constant 0 : index
    %get3A_9 = arith.constant 0 : index
    %get3A_10 = vector.load %arg4[%get3A_8, %get3A_9] : memref<10240x1xf32, #tpu.memory_space<vmem>>, vector<10240x1xf32>
    %add3A_11 = arith.addf %get3A_7, %get3A_10 : vector<10240x1xf32>
    %max3A = arith.constant 1.000000e+00 : f32
    %max3A_12 = vector.broadcast %max3A : f32 to vector<10240x1xf32>
    %max3A_13 = arith.maximumf %add3A, %max3A_12 : vector<10240x1xf32>
    %rsqrt3A = math.rsqrt %max3A_13 : vector<10240x1xf32>
    %get3A_14 = arith.constant 0 : index
    %get3A_15 = arith.constant 0 : index
    %get3A_16 = vector.load %arg0[%get3A_14, %get3A_15] : memref<10240x128xf32, #tpu.memory_space<vmem>>, vector<10240x128xf32>
    %mul3A = vector.broadcast %rsqrt3A : vector<10240x1xf32> to vector<10240x128xf32>
    %mul3A_17 = arith.mulf %get3A_16, %mul3A : vector<10240x128xf32>
    %swap3A = arith.constant 0 : index
    %swap3A_18 = arith.constant 0 : index
    %swap3A_19 = vector.load %arg5[%swap3A, %swap3A_18] : memref<10240x128xf32, #tpu.memory_space<vmem>>, vector<10240x128xf32>
    tpu.vector_store %arg5[%swap3A, %swap3A_18], %mul3A_17 {strides = array<i32>} : memref<10240x128xf32, #tpu.memory_space<vmem>>, vector<10240x128xf32>,
    %max3A_20 = arith.constant 1.000000e+00 : f32
    %max3A_21 = vector.broadcast %max3A_20 : f32 to vector<10240x1xf32>
    %max3A_22 = arith.maximumf %add3A_11, %max3A_21 : vector<10240x1xf32>
    %rsqrt3A_23 = math.rsqrt %max3A_22 : vector<10240x1xf32>
    %swap3A_24 = arith.constant 0 : index
    %swap3A_25 = arith.constant 0 : index
    %swap3A_26 = vector.load %arg6[%swap3A_24, %swap3A_25] : memref<10240x1xf32, #tpu.memory_space<vmem>>, vector<10240x1xf32>
    tpu.vector_store %arg6[%swap3A_24, %swap3A_25], %rsqrt3A_23 {strides = array<i32>} : memref<10240x1xf32, #tpu.memory_space<vmem>>, vector<10240x1xf32>,
    return
  }
}

module attributes {stable_mosaic.version = 14 : i64} {
  func.func @_score_body(%arg0: memref<10240x128xf32, #tpu.memory_space<vmem>>, %arg1: memref<10240x128xf32, #tpu.memory_space<vmem>>, %arg2: memref<10240x1xf32, #tpu.memory_space<vmem>>, %arg3: memref<128x1xf32, #tpu.memory_space<vmem>>, %arg4: memref<10240x1xf32, #tpu.memory_space<vmem>>) attributes {dimension_semantics = [], scalar_prefetch = 0 : i64, scratch_operands = 0 : i64, tpu.core_type = #tpu.core_type<tc>} {
    %get3A = arith.constant 0 : index
    %get3A_0 = arith.constant 0 : index
    %get3A_1 = vector.load %arg0[%get3A, %get3A_0] : memref<10240x128xf32, #tpu.memory_space<vmem>>, vector<10240x128xf32>
    %get3A_2 = arith.constant 0 : index
    %get3A_3 = arith.constant 0 : index
    %get3A_4 = vector.load %arg1[%get3A_2, %get3A_3] : memref<10240x128xf32, #tpu.memory_space<vmem>>, vector<10240x128xf32>
    %add3A = arith.addf %get3A_1, %get3A_4 : vector<10240x128xf32>
    %get3A_5 = arith.constant 0 : index
    %get3A_6 = arith.constant 0 : index
    %get3A_7 = vector.load %arg2[%get3A_5, %get3A_6] : memref<10240x1xf32, #tpu.memory_space<vmem>>, vector<10240x1xf32>
    %mul3A = vector.broadcast %get3A_7 : vector<10240x1xf32> to vector<10240x128xf32>
    %mul3A_8 = arith.mulf %add3A, %mul3A : vector<10240x128xf32>
    %get3A_9 = arith.constant 0 : index
    %get3A_10 = arith.constant 0 : index
    %get3A_11 = vector.load %arg3[%get3A_9, %get3A_10] : memref<128x1xf32, #tpu.memory_space<vmem>>, vector<128x1xf32>
    %dot_general3A = arith.constant dense<0.000000e+00> : vector<10240x1xf32>
    %dot_general3A_12 = tpu.matmul %mul3A_8, %get3A_11, %dot_general3A {dimension_numbers = #tpu.dot_dimension_numbers<[1], [0], [0], [1], [0, 0, 1, 1], [], []>, transpose_lhs_hint = false} : vector<10240x128xf32>, vector<128x1xf32>, vector<10240x1xf32> -> vector<10240x1xf32>
    %swap3A = arith.constant 0 : index
    %swap3A_13 = arith.constant 0 : index
    %swap3A_14 = vector.load %arg4[%swap3A, %swap3A_13] : memref<10240x1xf32, #tpu.memory_space<vmem>>, vector<10240x1xf32>
    tpu.vector_store %arg4[%swap3A, %swap3A_13], %dot_general3A_12 {strides = array<i32>} : memref<10240x1xf32, #tpu.memory_space<vmem>>, vector<10240x1xf32>,
    return
  }
}

module attributes {stable_mosaic.version = 14 : i64} {
  func.func @_topk_body(%arg0: i32, %arg1: memref<1x1x512xf32, #tpu.memory_space<vmem>>, %arg2: memref<1x1xf32, #tpu.memory_space<vmem>>, %arg3: memref<1x1x512xi32, #tpu.memory_space<vmem>>, %arg4: memref<1x1x512xf32, #tpu.memory_space<vmem>>) attributes {dimension_semantics = [#tpu.dimension_semantics<arbitrary>], iteration_bounds = array<i64: 20>, scalar_prefetch = 0 : i64, scratch_operands = 0 : i64, tpu.core_type = #tpu.core_type<tc>, window_params = [{transform_indices = @transform_0, window_bounds = array<i64: 1, 1, 512>}, {pipeline_mode = #tpu.pipeline_mode<synchronous>, transform_indices = @transform_1, window_bounds = array<i64: 1, 1>}, {transform_indices = @transform_2, window_bounds = array<i64: 1, 1, 512>}, {transform_indices = @transform_3, window_bounds = array<i64: 1, 1, 512>}]} {
    %get3A = arith.constant 0 : index
    %get3A_0 = arith.constant 0 : index
    %get3A_1 = arith.constant 0 : index
    %get3A_2 = vector.load %arg1[%get3A, %get3A_0, %get3A_1] : memref<1x1x512xf32, #tpu.memory_space<vmem>>, vector<1x1x512xf32>
    %reshape3A = vector.shape_cast %get3A_2 : vector<1x1x512xf32> to vector<1x512xf32>
    %get3A_3 = arith.constant 0 : index
    %get3A_4 = arith.constant 0 : index
    %get3A_5 = vector.load %arg2[%get3A_3, %get3A_4] : memref<1x1xf32, #tpu.memory_space<vmem>>, vector<1x1xf32>
    %get3A_6 = vector.extract %get3A_5[0, 0] : f32 from vector<1x1xf32>
    %add3A = vector.broadcast %get3A_6 : f32 to vector<1x512xf32>
    %add3A_7 = arith.addf %reshape3A, %add3A : vector<1x512xf32>
    %iota3A = tpu.iota {dimensions = array<i32: 1>} : vector<1x512xi32>
    %lt3A = arith.constant 500 : i32
    %lt3A_8 = vector.broadcast %lt3A : i32 to vector<1x512xi32>
    %lt3A_9 = arith.cmpi slt, %iota3A, %lt3A_8 : vector<1x512xi32>
    %jit3A = arith.constant -3.000000e+38 : f32
    %broadcast_in_dim3A = vector.broadcast %jit3A : f32 to vector<1x512xf32>
    %select_n3A = arith.select %lt3A_9, %add3A_7, %broadcast_in_dim3A : vector<1x512xi1>, vector<1x512xf32>
    %broadcast_in_dim3A_10 = vector.shape_cast %select_n3A : vector<1x512xf32> to vector<1x512xf32>
    %broadcast_in_dim3A_11 = vector.broadcast %broadcast_in_dim3A_10 : vector<1x512xf32> to vector<512x512xf32>
    %iota3A_12 = tpu.iota {dimensions = array<i32: 0>} : vector<512x512xi32>
    %iota3A_13 = tpu.iota {dimensions = array<i32: 1>} : vector<512x512xi32>
    %eq3A = arith.cmpi eq, %iota3A_12, %iota3A_13 : vector<512x512xi32>
    %jit3A_14 = arith.constant 0.000000e+00 : f32
    %broadcast_in_dim3A_15 = vector.broadcast %jit3A_14 : f32 to vector<512x512xf32>
    %select_n3A_16 = arith.select %eq3A, %broadcast_in_dim3A_11, %broadcast_in_dim3A_15 : vector<512x512xi1>, vector<512x512xf32>
    %reduce_sum3A = arith.constant dense<0.000000e+00> : vector<512xf32>
    %reduce_sum3A_17 = vector.multi_reduction <add>, %select_n3A_16, %reduce_sum3A [1] : vector<512x512xf32> to vector<512xf32>
    %broadcast_in_dim3A_18 = vector.shape_cast %reduce_sum3A_17 : vector<512xf32> to vector<512x1xf32>
    %gt3A = vector.broadcast %broadcast_in_dim3A_18 : vector<512x1xf32> to vector<512x512xf32>
    %gt3A_19 = arith.cmpf ogt, %broadcast_in_dim3A_11, %gt3A : vector<512x512xf32>
    %eq3A_20 = vector.broadcast %broadcast_in_dim3A_18 : vector<512x1xf32> to vector<512x512xf32>
    %eq3A_21 = arith.cmpf oeq, %broadcast_in_dim3A_11, %eq3A_20 : vector<512x512xf32>
    %lt3A_22 = arith.cmpi slt, %iota3A_13, %iota3A_12 : vector<512x512xi32>
    %and3A = arith.andi %eq3A_21, %lt3A_22 : vector<512x512xi1>
    %or3A = arith.ori %gt3A_19, %and3A : vector<512x512xi1>
    %convert_element_type3A = arith.extui %or3A : vector<512x512xi1> to vector<512x512xi32>
    %convert_element_type3A_23 = arith.sitofp %convert_element_type3A : vector<512x512xi32> to vector<512x512xf32>
    %reduce_sum3A_24 = arith.constant dense<0.000000e+00> : vector<512xf32>
    %reduce_sum3A_25 = vector.multi_reduction <add>, %convert_element_type3A_23, %reduce_sum3A_24 [1] : vector<512x512xf32> to vector<512xf32>
    %broadcast_in_dim3A_26 = vector.shape_cast %reduce_sum3A_25 : vector<512xf32> to vector<512x1xf32>
    %convert_element_type3A_27 = arith.sitofp %iota3A_13 : vector<512x512xi32> to vector<512x512xf32>
    %eq3A_28 = vector.broadcast %broadcast_in_dim3A_26 : vector<512x1xf32> to vector<512x512xf32>
    %eq3A_29 = arith.cmpf oeq, %eq3A_28, %convert_element_type3A_27 : vector<512x512xf32>
    %convert_element_type3A_30 = arith.sitofp %iota3A_12 : vector<512x512xi32> to vector<512x512xf32>
    %jit3A_31 = arith.constant 0.000000e+00 : f32
    %broadcast_in_dim3A_32 = vector.broadcast %jit3A_31 : f32 to vector<512x512xf32>
    %select_n3A_33 = arith.select %eq3A_29, %convert_element_type3A_30, %broadcast_in_dim3A_32 : vector<512x512xi1>, vector<512x512xf32>
    %reduce_sum3A_34 = arith.constant dense<0.000000e+00> : vector<512xf32>
    %reduce_sum3A_35 = vector.multi_reduction <add>, %select_n3A_33, %reduce_sum3A_34 [0] : vector<512x512xf32> to vector<512xf32>
    %broadcast_in_dim3A_36 = vector.shape_cast %reduce_sum3A_35 : vector<512xf32> to vector<1x512xf32>
    %broadcast_in_dim3A_37 = vector.shape_cast %broadcast_in_dim3A_18 : vector<512x1xf32> to vector<512x1xf32>
    %broadcast_in_dim3A_38 = vector.broadcast %broadcast_in_dim3A_37 : vector<512x1xf32> to vector<512x512xf32>
    %jit3A_39 = arith.constant 0.000000e+00 : f32
    %broadcast_in_dim3A_40 = vector.broadcast %jit3A_39 : f32 to vector<512x512xf32>
    %select_n3A_41 = arith.select %eq3A_29, %broadcast_in_dim3A_38, %broadcast_in_dim3A_40 : vector<512x512xi1>, vector<512x512xf32>
    %reduce_sum3A_42 = arith.constant dense<0.000000e+00> : vector<512xf32>
    %reduce_sum3A_43 = vector.multi_reduction <add>, %select_n3A_41, %reduce_sum3A_42 [0] : vector<512x512xf32> to vector<512xf32>
    %broadcast_in_dim3A_44 = vector.shape_cast %reduce_sum3A_43 : vector<512xf32> to vector<1x512xf32>
    %convert_element_type3A_45 = arith.fptosi %broadcast_in_dim3A_36 : vector<1x512xf32> to vector<1x512xi32>
    %mul3A = arith.constant 500 : i32
    %mul3A_46 = arith.muli %arg0, %mul3A : i32
    %add3A_47 = vector.broadcast %mul3A_46 : i32 to vector<1x512xi32>
    %add3A_48 = arith.addi %convert_element_type3A_45, %add3A_47 : vector<1x512xi32>
    %reshape3A_49 = vector.shape_cast %add3A_48 : vector<1x512xi32> to vector<1x1x512xi32>
    %swap3A = arith.constant 0 : index
    %swap3A_50 = arith.constant 0 : index
    %swap3A_51 = arith.constant 0 : index
    %swap3A_52 = vector.load %arg3[%swap3A, %swap3A_50, %swap3A_51] : memref<1x1x512xi32, #tpu.memory_space<vmem>>, vector<1x1x512xi32>
    tpu.vector_store %arg3[%swap3A, %swap3A_50, %swap3A_51], %reshape3A_49 {strides = array<i32>} : memref<1x1x512xi32, #tpu.memory_space<vmem>>, vector<1x1x512xi32>,
    %tanh3A = math.tanh %broadcast_in_dim3A_44 : vector<1x512xf32>
    %reshape3A_53 = vector.shape_cast %tanh3A : vector<1x512xf32> to vector<1x1x512xf32>
    %swap3A_54 = arith.constant 0 : index
    %swap3A_55 = arith.constant 0 : index
    %swap3A_56 = arith.constant 0 : index
    %swap3A_57 = vector.load %arg4[%swap3A_54, %swap3A_55, %swap3A_56] : memref<1x1x512xf32, #tpu.memory_space<vmem>>, vector<1x1x512xf32>
    tpu.vector_store %arg4[%swap3A_54, %swap3A_55, %swap3A_56], %reshape3A_53 {strides = array<i32>} : memref<1x1x512xf32, #tpu.memory_space<vmem>>, vector<1x1x512xf32>,
    return
  }
  func.func @transform_0(%arg0: i32) -> (i32, i32, i32) {
    %c0_i32 = arith.constant 0 : i32
    %c0_i32_0 = arith.constant 0 : i32
    %c0_i32_1 = arith.constant 0 : i32
    return %arg0, %c0_i32, %c0_i32_0 : i32, i32, i32
  }
  func.func @transform_1(%arg0: i32) -> (i32, i32) {
    %c0_i32 = arith.constant 0 : i32
    %c0_i32_0 = arith.constant 0 : i32
    %c0_i32_1 = arith.constant 0 : i32
    return %c0_i32, %c0_i32_0 : i32, i32
  }
  func.func @transform_2(%arg0: i32) -> (i32, i32, i32) {
    %c0_i32 = arith.constant 0 : i32
    %c0_i32_0 = arith.constant 0 : i32
    %c0_i32_1 = arith.constant 0 : i32
    return %arg0, %c0_i32, %c0_i32_0 : i32, i32, i32
  }
  func.func @transform_3(%arg0: i32) -> (i32, i32, i32) {
    %c0_i32 = arith.constant 0 : i32
    %c0_i32_0 = arith.constant 0 : i32
    %c0_i32_1 = arith.constant 0 : i32
    return %arg0, %c0_i32, %c0_i32_0 : i32, i32, i32
  }
}

module attributes {stable_mosaic.version = 14 : i64} {
  func.func @_scale_body(%arg0: memref<5120x128xf32, #tpu.memory_space<vmem>>, %arg1: memref<5120x1xf32, #tpu.memory_space<vmem>>, %arg2: memref<5120x128xf32, #tpu.memory_space<vmem>>) attributes {dimension_semantics = [], scalar_prefetch = 0 : i64, scratch_operands = 0 : i64, tpu.core_type = #tpu.core_type<tc>} {
    %get3A = arith.constant 0 : index
    %get3A_0 = arith.constant 0 : index
    %get3A_1 = vector.load %arg0[%get3A, %get3A_0] : memref<5120x128xf32, #tpu.memory_space<vmem>>, vector<5120x128xf32>
    %get3A_2 = arith.constant 0 : index
    %get3A_3 = arith.constant 0 : index
    %get3A_4 = vector.load %arg1[%get3A_2, %get3A_3] : memref<5120x1xf32, #tpu.memory_space<vmem>>, vector<5120x1xf32>
    %mul3A = vector.broadcast %get3A_4 : vector<5120x1xf32> to vector<5120x128xf32>
    %mul3A_5 = arith.mulf %get3A_1, %mul3A : vector<5120x128xf32>
    %swap3A = arith.constant 0 : index
    %swap3A_6 = arith.constant 0 : index
    %swap3A_7 = vector.load %arg2[%swap3A, %swap3A_6] : memref<5120x128xf32, #tpu.memory_space<vmem>>, vector<5120x128xf32>
    tpu.vector_store %arg2[%swap3A, %swap3A_6], %mul3A_5 {strides = array<i32>} : memref<5120x128xf32, #tpu.memory_space<vmem>>, vector<5120x128xf32>,
    return
  }
}

</mosaic_0001>

<sc_bundles>
// kernel: kernel.12.cloned.1.call-start
scs
__scs_entry_jumppad:
0x0: {  	(pc) =	sbr.rel $0x88, $3  }
0x1: {  	(tag) =	ssettag $0x0;
	lr =	simm.s32 $0x1  }
0x2: {  	[smem:$0x3F9D] =	sst lr;
	_ =	strace $0xD0000000  }
0x3: {  	_ = 	snop  }
0x4: {  	_ = 	snop  }
0x5: {  	_ = 	snop  }
0x6: {  	_ = 	snop  }
0x7: {  	_ = 	snop  }
__scs_overlays_trampoline_lowered:
0x8: {  	[smem:$0x3FAC] =	sst s0  }
0x9: {  	[smem:$0x3FAD] =	sst s1  }
0xa: {  	[smem:$0x3FAE] =	sst s2  }
0xb: {  	[smem:$0x3FAF] =	sst s3  }
0xc: {  	[smem:$0x3FB0] =	sst s4  }
0xd: {  	[smem:$0x3FB1] =	sst s5  }
0xe: {  	[smem:$0x3FB2] =	sst s6  }
0xf: {  	[smem:$0x3FB3] =	sst s7  }
0x10: {  	[smem:$0x3FB4] =	sst s8  }
0x11: {  	[smem:$0x3FB5] =	sst s9;
	s0 =	simm.s32 @!p0 $0x0  }
0x12: {  	s1 =	sld [smem:$0x3F9B];
	s0 =	simm.s32 @p0 $0x1  }
0x13: {  	[smem:$0x3FB6] =	sst s0;
	s0 =	simm.s32 @!p1 $0x0  }
0x14: {  	s2 =	sld [smem:$0x3F9A];
	s0 =	simm.s32 @p1 $0x1  }
0x15: {  	[smem:$0x3FB7] =	sst s0;
	s0 =	simm.s32 @!p2 $0x0  }
0x16: {  	s3 =	sld [smem:$0x3FDB];
	s0 =	simm.s32 @p2 $0x1  }
0x17: {  	s4 =	simm.s32 $0x1BF5;
	[smem:$0x3FB9] =	sst s0  }
0x18: {  	s0 =	sld [smem:$0x3F9C];
	_ =	swait.ge [sflag:s4], $0x0  }
0x19: {  	s7 =	sld [smem:$0x3F9D]  }
0x1a: {  	s8 =	sadd.s32 $0xFFFFE003, lr  }
0x1b: {  	s9 =	sadd.s32 $0xFFFFFEF7, lr;
	s5 =	simm.s32 $0xFFFFFFFF;
	p2 =	slt.u32 s8, $0xFFFFF086  }
0x1c: {  	p1 =	slt.u32 s9, $0xF7A;
	s5 =	simm.s32 @!p2 $0x0  }
0x1d: {  	s5 =	simm.s32 @p1 $0x1;
	p0 =	seq.s32 s7, s2  }
0x1e: {  	s7 =	smul.u32 @!p0 $0xF7A, s2;
	p2 =	seq.s32 @!p0 s5, $0x0  }
0x1f: {  	s9 =	smul.u32 $0xF7A, s1;
	s8 =	simm.s32 @!p0 $0x1BF5;
	p2 =	por !p2, p0  }
0x20: {  	[sflag:s8] =	ssyncset.s32 @!p0 $0xFFFFF086;
	s6 =	sadd.s32 @!p0 s3, s7;
	s7 =	simm.s32 @!p0 $0x108  }
0x21: {  	s3 =	sadd.s32 s3, s9;
	s6 =	sadd.s32 @!p0 $0x88, s6;
	s7 =	simm.s32 @p2 $0x1082  }
0x22: {  	[simem:s7], [sflag:s8] =	dma.local @!p0 [hbm:s6], $0xF7A  }
0x23: {  	s9 =	sor.u32 $0xD0000000, s2;
	s6 =	simm.s32 $0x108;
	_ =	swait.ge @!p0 [sflag:s8], $0x0  }
0x24: {  	s3 =	sadd.s32 $0x88, s3;
	s6 =	simm.s32 @!p1 $0x1082;
	[sflag:s4] =	ssyncset.s32 $0xFFFFF086  }
0x25: {  	[simem:s6], [sflag:s4] =	dma.local [hbm:s3], $0xF7A  }
0x26: {  	[smem:$0x3F9D] =	sst s1;
	(tag) =	ssettag s2;
	_ =	strace s9  }
0x27: {  	s1 =	sld [smem:$0x3FAD]  }
0x28: {  	s2 =	sld [smem:$0x3FAE]  }
0x29: {  	s4 =	sld [smem:$0x3FB0]  }
0x2a: {  	p0 =	seq.s32 s5, $0x0;
	s5 =	sld [smem:$0x3FB1]  }
0x2b: {  	s6 =	sld [smem:$0x3FB2]  }
0x2c: {  	s7 =	sld [smem:$0x3FB3]  }
0x2d: {  	s3 =	simm.s32 $0x108;
	s8 =	sld [smem:$0x3FB4]  }
0x2e: {  	s3 =	simm.s32 @!p0 $0x1082;
	s9 =	sld [smem:$0x3FB5]  }
0x2f: {  	lr =	sadd.s32 s0, s3;
	s0 =	sld [smem:$0x3FAC]  }
0x30: {  	s3 =	sld [smem:$0x3FAF]  }
0x31: {  	[smem:$0x3FB8] =	sst s10  }
0x32: {  	s10 =	sld [smem:$0x3FB6];
	_ =	sdelay $0x3  }
0x33: {  	p0 =	seq.s32 s10, $0x1;
	s10 =	sld [smem:$0x3FB8];
	_ =	sdelay $0x3  }
0x34: {  	[smem:$0x3FB8] =	sst s10  }
0x35: {  	s10 =	sld [smem:$0x3FB7];
	_ =	sdelay $0x3  }
0x36: {  	p1 =	seq.s32 s10, $0x1;
	s10 =	sld [smem:$0x3FB8];
	_ =	sdelay $0x3  }
0x37: {  	[smem:$0x3FB8] =	sst s10  }
0x38: {  	s10 =	sld [smem:$0x3FB9]  }
0x39: {  	_ = 	snop;
	(pc) =	sbr.ind lr, $3  }
0x3a: {  	_ = 	snop  }
0x3b: {  	_ = 	snop  }
0x3c: {  	p2 =	seq.s32 s10, $0x1;
	s10 =	sld [smem:$0x3FB8]  }
0x3d: {  	_ =	shalt  }
0x3e: {  	_ =	shalt  }
0x3f: {  	_ =	shalt  }
0x40: {  	_ =	shalt  }
0x41: {  	_ =	shalt  }
0x42: {  	_ =	shalt  }
0x43: {  	_ =	shalt  }
0x44: {  	_ =	shalt  }
0x45: {  	_ =	shalt  }
0x46: {  	_ =	shalt  }
0x47: {  	_ =	shalt  }
0x48: {  	_ =	shalt  }
0x49: {  	_ =	shalt  }
0x4a: {  	_ =	shalt  }
0x4b: {  	_ =	shalt  }
0x4c: {  	_ =	shalt  }
0x4d: {  	_ =	shalt  }
0x4e: {  	_ =	shalt  }
0x4f: {  	_ =	shalt  }
0x50: {  	_ =	shalt  }
0x51: {  	_ =	shalt  }
0x52: {  	_ =	shalt  }
0x53: {  	_ =	shalt  }
0x54: {  	_ =	shalt  }
0x55: {  	_ =	shalt  }
0x56: {  	_ =	shalt  }
0x57: {  	_ =	shalt  }
0x58: {  	_ =	shalt  }
0x59: {  	_ =	shalt  }
0x5a: {  	_ =	shalt  }
0x5b: {  	_ =	shalt  }
0x5c: {  	_ =	shalt  }
0x5d: {  	_ =	shalt  }
0x5e: {  	_ =	shalt  }
0x5f: {  	_ =	shalt  }
0x60: {  	_ =	shalt  }
0x61: {  	_ =	shalt  }
0x62: {  	_ =	shalt  }
0x63: {  	_ =	shalt  }
0x64: {  	_ =	shalt  }
0x65: {  	_ =	shalt  }
0x66: {  	_ =	shalt  }
0x67: {  	_ =	shalt  }
0x68: {  	_ =	shalt  }
0x69: {  	_ =	shalt  }
0x6a: {  	_ =	shalt  }
0x6b: {  	_ =	shalt  }
0x6c: {  	_ =	shalt  }
0x6d: {  	_ =	shalt  }
0x6e: {  	_ =	shalt  }
0x6f: {  	_ =	shalt  }
0x70: {  	_ =	shalt  }
0x71: {  	_ =	shalt  }
0x72: {  	_ =	shalt  }
0x73: {  	_ =	shalt  }
0x74: {  	_ =	shalt  }
0x75: {  	_ =	shalt  }
0x76: {  	_ =	shalt  }
0x77: {  	_ =	shalt  }
0x78: {  	_ =	shalt  }
0x79: {  	_ =	shalt  }
0x7a: {  	_ =	shalt  }
0x7b: {  	_ =	shalt  }
0x7c: {  	_ =	shalt  }
0x7d: {  	_ =	shalt  }
0x7e: {  	_ =	shalt  }
0x7f: {  	_ =	shalt  }
0x80: {  	_ =	shalt  }
0x81: {  	_ =	shalt  }
0x82: {  	_ =	shalt  }
0x83: {  	_ =	shalt  }
0x84: {  	_ =	shalt  }
0x85: {  	_ =	shalt  }
0x86: {  	_ =	shalt  }
0x87: {  	_ =	shalt  }
.Lfunc_end0:
.L_simem_size_0:
called_computation.1_lowered:
.L_overlay_start_0:
0x88: {  	s2 =	sld [smem:$0x3FD9]  }
0x89: {  	s3 =	sld [smem:$0x3FFE];
	_ =	sdelay $0x1  }
0x8a: {  	s1 =	srdreg.scid  }
0x8b: {  	s0 =	sand.u32 $0x1, s1  }
0x8c: {  	s14 =	sshll.u32 s0, $0xA;
	s2 =	sadd.s32 s3, s2  }
0x8d: {  	s2 =	sadd.s32 s2, s14  }
0x8e: {  	[smem:$0x3FC4] =	sst s2  }
0x8f: {  	_ = 	snop  }
0x90: {  	s2 =	sld [smem:$0x3FD0];
	_ =	sdelay $0x2  }
0x91: {  	s15 =	simm.s32 $0xA;
	s4 =	simm.s32 $0x10  }
0x92: {  	[smem:s4], [sflag:s15] =	dma.local [hbm:s2], $0x1  }
0x93: {  	_ =	swait.eq [sflag:s15], $0x1  }
0x94: {  	[sflag:s15] =	ssyncset.done $0x0  }
0x95: {  	[sflag:s15] =	ssyncadd.s32 $0xFFFFFFFF  }
0x96: {  	s16 =	sld [smem:$0x10];
	(tm) =	ssettm $0x1  }
0x97: {  	s17 =	sld [smem:$0x3FFB];
	_ =	sdelay $0x3  }
0x98: {  	_ =	strace s17  }
0x99: {  	s3 =	sld [smem:$0x3FFC];
	_ =	sdelay $0x3  }
0x9a: {  	_ =	strace s3  }
0x9b: {  	s3 =	sld [smem:$0x3FFD];
	_ =	sdelay $0x3  }
0x9c: {  	_ =	strace s3  }
0x9d: {  	_ =	strace $0x8FFFFFFF  }
0x9e: {  	s18 =	sld [smem:$0x3FDB];
	_ =	sdelay $0x1  }
0x9f: {  	s19 =	simm.s32 $_scs_section_size  }
0xa0: {  	s5 =	simm.s32 $_size__tile_overlayer_lowered;
	s6 =	simm.s32 $_tile_overlayer_lowered  }
0xa1: {  	s22 =	simm.s32 $0x1BFF;
	s21 =	sshll.u32 s6, $0x1;
	s3 =	sadd.s32 s19, s18  }
0xa2: {  	s7 =	simm.s32 $0x0;
	s20 =	sshll.u32 s5, $0x1;
	s5 =	sadd.s32 s21, s3  }
0xa3: {  	[timem:s7], [sflag:s22] =	dma.local [hbm:s5], s20  }
0xa4: {  	_ =	swait.ge [sflag:s22], s20  }
0xa5: {  	s4 =	ssub.s32 $0x0, s20;
	[sflag:s22] =	ssyncset.done $0x0  }
0xa6: {  	[sflag:s22] =	ssyncadd.s32 s4;
	_ =	sdelay $0x1  }
0xa7: {  	s23 =	simm.s32 $0x1B8B  }
0xa8: {  	_ =	swait.ge [sflag:s23], $0x1  }
0xa9: {  	[sflag:s23] =	ssyncset.done $0x0  }
0xaa: {  	s25 =	simm.s32 $0x1B8E;
	s24 =	sld [smem:$0x3FFE];
	[sflag:s23] =	ssyncadd.s32 $0xFFFFFFFF  }
0xab: {  	s26 =	simm.s32 $execute0_lowered;
	[smem:$0x3FD2] =	sst s25  }
0xac: {  	s5 =	sshll.u32 s26, $0x1;
	_ =	strace $0x80000049;
	[dreg:$0x1] =	wrdreg $0xFFFFFFFF  }
0xad: {  	s28 =	simm.s32 $_size_execute0_lowered;
	s3 =	sadd.s32 s3, s5;
	[dreg:$0x0] =	wrdreg $0x0  }
0xae: {  	s5 =	sshll.u32 s28, $0x1;
	[dreg:$0x2] =	wrdreg s3  }
0xaf: {  	[dreg:$0x3] =	wrdreg s5  }
0xb0: {  	[dreg:$0x4] =	wrdreg $0xC0  }
0xb1: {  	_ =	task [dreg:s7], $0x5FFFF  }
0xb2: {  	[dreg:$0x1] =	wrdreg $0xFFFFFFFF  }
0xb3: {  	[dreg:$0x0] =	wrdreg $0x60  }
0xb4: {  	[dreg:$0x2] =	wrdreg s24  }
0xb5: {  	[dreg:$0x3] =	wrdreg s16  }
0xb6: {  	[dreg:$0x4] =	wrdreg $0x0  }
0xb7: {  	[dreg:$0x5] =	wrdreg $0x9  }
0xb8: {  	_ =	task.clear_ibuf [dreg:s7], $0x6FFFF;
	_ =	strace $0x90000049  }
0xb9: {  	s29 =	simm.s32 $0x9;
	_ =	strace $0x8000004B  }
0xba: {  	_ =	swait.ge [sflag:s29], $0x1  }
0xbb: {  	[sflag:s29] =	ssyncadd.s32 $0xFFFFFFFF  }
0xbc: {  	_ =	strace $0x9000004B  }
0xbd: {  	_ =	sfence  }
0xbe: {  	s30 =	sld [smem:$0x0];
	_ =	sdelay $0x2  }
0xbf: {  	s31 =	sshll.u32 s1, $0xD;
	s1 =	sshrl.u32 s1, $0x2  }
0xc0: {  	s3 =	sand.u32 $0x4000, s31;
	s1 =	sadd.s32 s1, s30  }
0xc1: {  	s0 =	sor.u32 s3, s0;
	s1 =	sshll.u32 s1, $0x11  }
0xc2: {  	s0 =	sor.u32 s1, s0  }
0xc3: {  	s0 =	sadd.s32 $0x8F2B, s0  }
0xc4: {  	[sflag:s0] =	ssyncadd.remote.s32 $0x1  }
0xc5: {  	_ =	sfence.sel $0xFFFF  }
0xc6: {  	[dreg:$0x0] =	wrdreg $0xFFFFFFFF;
	(pc) =	sbr.abs _section_cstart, $3  }
0xc7: {  	[dreg:$0x1] =	wrdreg $0xFFFFFFFF  }
0xc8: {  	_ =	task.clear_ibuf [dreg:s7], $0x2FFFF;
	_ =	strace $0x9FFFFFFF  }
0xc9: {  	(tm) =	ssettm $0x7FFFFFFF  }
tec
execute0_lowered:
.L_overlay_start_1:
0x0: {  	(tag) =	ssettag $0x1  }
0x1: {  	s5 =	rddreg [dreg:$0x0]  }
0x2: {  	s17 =	rddreg [dreg:$0x1]  }
0x3: {  	s2 =	rddreg [dreg:$0x2]  }
0x4: {  	s3 =	srdreg.scid;
	s0 =	rddreg [dreg:$0x3]  }
0x5: {  	s1 =	stileid.u32;
	s22 =	simm.s32 $0x14080;
	s23 =	simm.s32 $0x80  }
0x6: {  	s24 =	simm.s32 $0x0;
	s7 =	sand.u32 $0x1, s3;
	s8 =	smul.u32 $0x50000, s1  }
0x7: {  	s3 =	simm.s32 $0x0;
	s6 =	sshll.u32 s1, $0x7;
	s10 =	smul.u32 $0x14000, s1  }
0x8: {  	s15 =	sadd.s32 $0x33200, s5;
	s4 =	sshll.u32 s7, $0xB;
	[smem:$0x7FF] =	sst s3  }
0x9: {  	s28 =	ssub.s32 $0x2, s7;
	s29 =	sshll.u32 s7, $0x4;
	s21 =	smul.u32 $0x140000, s7  }
0xa: {  	s4 =	sor.u32 s6, s4;
	_ =	strace $0x8000004A;
	s9 =	sshrl.u32 s28, $0x1  }
0xb: {  	s11 =	sor.u32 s1, s29;
	s30 =	sshrl.u32 s8, $0x2;
	s12 =	sadd.s32 $0x4000, s10  }
0xc: {  	s13 =	sadd.s32 $0x8000, s10;
	s14 =	sadd.s32 $0xC000, s10;
	s20 =	sadd.s32 $0x10000, s10  }
0xd: {  	s18 =	sshrl.u32 s4, $0x3;
	s4 =	sadd.s32 $0xB200, s5;
	s16 =	ssub.s32 s28, s9  }
0xe: {  	s6 =	sadd.s32 s12, s2;
	s7 =	sadd.s32 s13, s2;
	s8 =	sadd.s32 s14, s2  }
0xf: {  	s9 =	sadd.s32 s20, s2;
	p0 =	slt.u32 s11, $0x4;
	s31 =	sadd.s32 s10, s21  }
0x10: {  	s12 =	sadd.s32 s21, s12;
	s10 =	simm.s32 $0x4F;
	s13 =	sadd.s32 s21, s13  }
0x11: {  	s14 =	sadd.s32 s21, s14;
	s20 =	sadd.s32 s21, s20;
	s21 =	simm.s32 $0x14000  }
0x12: {  	s19 =	sadd.s32 s18, s5;
	s5 =	sadd.s32 s30, s2;
	s11 =	sshrl.u32 s31, $0x3  }
0x13: {  	s12 =	sshrl.u32 s12, $0x3;
	s10 =	simm.s32 @!p0 $0x4E;
	s13 =	sshrl.u32 s13, $0x3  }
0x14: {  	s14 =	sshrl.u32 s14, $0x3;
	s20 =	sshrl.u32 s20, $0x3;
	s16 =	smax.u32 s16, $0x1  }
0x15: {  	s17 =	sadd.s32 s18, s17;
	s11 =	sadd.s32 s15, s11;
	s12 =	sadd.s32 s15, s12  }
0x16: {  	s13 =	sadd.s32 s15, s13;
	s14 =	sadd.s32 s15, s14;
	s15 =	sadd.s32 s15, s20  }
0x17: {  	v0 =	vimm.f32 $0.0e+00;
	s18 =	sadd.s32 $0x1400, s19;
	s19 =	simm.s32 $0x14100;
	s20 =	simm.s32 $0x1  }
.LBB2_1:
0x18: {  	s25 =	sand.u32 $0xFE00, s3  }
0x19: {  	s26 =	sand.u32 $0x70, s3;
	s28 =	sshrl.u32 s25, $0x2  }
0x1a: {  	s25 =	simm.s32 $0x40;
	s28 =	sor.u32 s26, s28;
	s26 =	simm.s32 $0x0  }
.LBB2_2:
0x1b: {  	p0 =	sne.s32 s25, $0xFFC0  }
0x1c: {  	[tilespmem:s28+$0x14100] =	vst v0;
	s26 =	sadd.s32 $0x10, s26;
	s28 =	smov.u32 s25;
	s25 =	sadd.s32 $0x40, s25  }
.Ltmp0:
0x1d: {  	(pc) =	sbr.rel @p0 .LBB2_2-.Ltmp0, $4  }
0x1e: {  	_ = 	snop  }
0x1f: {  	s28 =	sand.u32 $0xFE00, s28  }
0x20: {  	s29 =	sand.u32 $0x70, s26;
	s28 =	sshrl.u32 s28, $0x2  }
0x21: {  	s28 =	sor.u32 s29, s28  }
0x22: {  	[tilespmem:s28+$0x14100] =	vst v0  }
0x23: {  	[spmem:s5] =	stream.linear.scatter [tilespmem:s19], [sflag:$0x1], $0x4000, $0x38;
	[tilespmem:$0x18100] =	vst v63  }
0x24: {  	_ =	swait.ge [sflag:s20], $0x4000  }
0x25: {  	[sflag:s20] =	ssyncset.done $0x0  }
0x26: {  	[sflag:s20] =	ssyncadd.s32 $0xFFFFC000  }
0x27: {  	[spmem:s6] =	stream.linear.scatter [tilespmem:s19], [sflag:$0x1], $0x4000, $0x38;
	[tilespmem:$0x18100] =	vst v63  }
0x28: {  	_ =	swait.ge [sflag:s20], $0x4000  }
0x29: {  	[sflag:s20] =	ssyncset.done $0x0  }
0x2a: {  	[sflag:s20] =	ssyncadd.s32 $0xFFFFC000  }
0x2b: {  	[spmem:s7] =	stream.linear.scatter [tilespmem:s19], [sflag:$0x1], $0x4000, $0x38;
	[tilespmem:$0x18100] =	vst v63  }
0x2c: {  	_ =	swait.ge [sflag:s20], $0x4000  }
0x2d: {  	[sflag:s20] =	ssyncset.done $0x0  }
0x2e: {  	[sflag:s20] =	ssyncadd.s32 $0xFFFFC000  }
0x2f: {  	[spmem:s8] =	stream.linear.scatter [tilespmem:s19], [sflag:$0x1], $0x4000, $0x38;
	[tilespmem:$0x18100] =	vst v63  }
0x30: {  	_ =	swait.ge [sflag:s20], $0x4000  }
0x31: {  	[sflag:s20] =	ssyncset.done $0x0  }
0x32: {  	[sflag:s20] =	ssyncadd.s32 $0xFFFFC000  }
0x33: {  	[spmem:s9] =	stream.linear.scatter [tilespmem:s19], [sflag:$0x1], $0x4000, $0x38;
	[tilespmem:$0x18100] =	vst v63  }
0x34: {  	_ =	swait.ge [sflag:s20], $0x4000  }
0x35: {  	[sflag:s20] =	ssyncset.done $0x0  }
0x36: {  	[sflag:s20] =	ssyncadd.s32 $0xFFFFC000  }
0x37: {  	[bflag:$0x0] =	sbarrier.arrive $0xFFFF  }
0x38: {  	[tilespmem:s21], [sflag:$0x1] =	stream.linear.gather [hbm4b:s18+s3], $0x80, $0x38;
	[tilespmem:$0x18100] =	vst v63  }
0x39: {  	_ =	swait.ge [sflag:s20], $0x80  }
0x3a: {  	[sflag:s20] =	ssyncset.done $0x0  }
0x3b: {  	[sflag:s20] =	ssyncadd.s32 $0xFFFFFF80  }
0x3c: {  	[tilespmem:s22], [sflag:$0x1] =	stream.linear.gather [hbm4b:s17+s3], $0x80, $0x38;
	[tilespmem:$0x18100] =	vst v63  }
0x3d: {  	_ =	swait.ge [sflag:s20], $0x80  }
0x3e: {  	[sflag:s20] =	ssyncset.done $0x0  }
0x3f: {  	[sflag:s20] =	ssyncadd.s32 $0xFFFFFF80  }
0x40: {  	[tilespmem:s19], [sflag:$0x1] =	stream.indirect.gather [hbm4b:s4+s23], $0x80, s21, s23, $0xb8;
	[tilespmem:$0x18100] =	vst v63  }
0x41: {  	p0 =	sne.s32 s10, $0x1;
	_ =	swait.ge [sflag:s20], $0x4000  }
.Ltmp1:
0x42: {  	[sflag:s20] =	ssyncset.done $0x0;
	(pc) =	sbr.rel @!p0 .LBB2_5-.Ltmp1, $4  }
0x43: {  	[sflag:s20] =	ssyncadd.s32 $0xFFFFC000  }
0x44: {  	[spmem:s2] =	stream.indirect.scatter.add.f32 [tilespmem:s19], [sflag:$0x1], $0x80, s22, s23, $0xb8;
	[tilespmem:$0x18100] =	vst v63  }
0x45: {  	s25 =	sadd.s32 $0xFFFFFFFF, s10;
	_ =	swait.ge [sflag:s20], $0x4000  }
0x46: {  	s26 =	smov.u32 s17;
	s28 =	smov.u32 s18;
	[sflag:s20] =	ssyncset.done $0x0  }
.LBB2_4:
0x47: {  	[sflag:s20] =	ssyncadd.s32 $0xFFFFC000;
	s26 =	sadd.s32 $0x200, s26;
	s28 =	sadd.s32 $0x200, s28  }
0x48: {  	[tilespmem:s21], [sflag:$0x1] =	stream.linear.gather [hbm4b:s28+s3], $0x80, $0x38;
	[tilespmem:$0x18100] =	vst v63  }
0x49: {  	p0 =	sne.s32 s25, $0x1;
	s25 =	sadd.s32 $0xFFFFFFFF, s25;
	_ =	swait.ge [sflag:s20], $0x80  }
0x4a: {  	[sflag:s20] =	ssyncset.done $0x0  }
0x4b: {  	[sflag:s20] =	ssyncadd.s32 $0xFFFFFF80  }
0x4c: {  	[tilespmem:s22], [sflag:$0x1] =	stream.linear.gather [hbm4b:s26+s3], $0x80, $0x38;
	[tilespmem:$0x18100] =	vst v63  }
0x4d: {  	_ =	swait.ge [sflag:s20], $0x80  }
0x4e: {  	[sflag:s20] =	ssyncset.done $0x0  }
0x4f: {  	[sflag:s20] =	ssyncadd.s32 $0xFFFFFF80  }
0x50: {  	[tilespmem:s19], [sflag:$0x1] =	stream.indirect.gather [hbm4b:s4+s23], $0x80, s21, s23, $0xb8;
	[tilespmem:$0x18100] =	vst v63  }
0x51: {  	_ =	swait.ge [sflag:s20], $0x4000  }
.Ltmp2:
0x52: {  	[sflag:s20] =	ssyncset.done $0x0;
	(pc) =	sbr.rel @p0 .LBB2_4-.Ltmp2, $4  }
0x53: {  	[sflag:s20] =	ssyncadd.s32 $0xFFFFC000  }
0x54: {  	[spmem:s2] =	stream.indirect.scatter.add.f32 [tilespmem:s19], [sflag:$0x1], $0x80, s22, s23, $0xb8;
	[tilespmem:$0x18100] =	vst v63  }
0x55: {  	_ =	swait.ge [sflag:s20], $0x4000  }
0x56: {  	[sflag:s20] =	ssyncset.done $0x0  }
.LBB2_5:
0x57: {  	[sflag:s20] =	ssyncadd.s32 $0xFFFFC000  }
0x58: {  	[bflag:$0x0] =	sbarrier.arrive $0xFFFF  }
0x59: {  	[tilespmem:s19], [sflag:$0x1] =	stream.linear.gather [spmem:s5], $0x4000, $0x38;
	[tilespmem:$0x18100] =	vst v63  }
0x5a: {  	_ =	swait.ge [sflag:s20], $0x4000  }
0x5b: {  	[sflag:s20] =	ssyncset.done $0x0  }
0x5c: {  	[sflag:s20] =	ssyncadd.s32 $0xFFFFC000  }
0x5d: {  	[hbm4b:s11+s3] =	stream.linear.scatter [tilespmem:s19], [sflag:$0x1], $0x4000, $0x38;
	[tilespmem:$0x18100] =	vst v63  }
0x5e: {  	_ =	swait.ge [sflag:s20], $0x4000  }
0x5f: {  	[sflag:s20] =	ssyncset.done $0x0  }
0x60: {  	[sflag:s20] =	ssyncadd.s32 $0xFFFFC000  }
0x61: {  	[tilespmem:s19], [sflag:$0x1] =	stream.linear.gather [spmem:s6], $0x4000, $0x38;
	[tilespmem:$0x18100] =	vst v63  }
0x62: {  	_ =	swait.ge [sflag:s20], $0x4000  }
0x63: {  	[sflag:s20] =	ssyncset.done $0x0  }
0x64: {  	[sflag:s20] =	ssyncadd.s32 $0xFFFFC000  }
0x65: {  	[hbm4b:s12+s3] =	stream.linear.scatter [tilespmem:s19], [sflag:$0x1], $0x4000, $0x38;
	[tilespmem:$0x18100] =	vst v63  }
0x66: {  	_ =	swait.ge [sflag:s20], $0x4000  }
0x67: {  	[sflag:s20] =	ssyncset.done $0x0  }
0x68: {  	[sflag:s20] =	ssyncadd.s32 $0xFFFFC000  }
0x69: {  	[tilespmem:s19], [sflag:$0x1] =	stream.linear.gather [spmem:s7], $0x4000, $0x38;
	[tilespmem:$0x18100] =	vst v63  }
0x6a: {  	_ =	swait.ge [sflag:s20], $0x4000  }
0x6b: {  	[sflag:s20] =	ssyncset.done $0x0  }
0x6c: {  	[sflag:s20] =	ssyncadd.s32 $0xFFFFC000  }
0x6d: {  	[hbm4b:s13+s3] =	stream.linear.scatter [tilespmem:s19], [sflag:$0x1], $0x4000, $0x38;
	[tilespmem:$0x18100] =	vst v63  }
0x6e: {  	_ =	swait.ge [sflag:s20], $0x4000  }
0x6f: {  	[sflag:s20] =	ssyncset.done $0x0  }
0x70: {  	[sflag:s20] =	ssyncadd.s32 $0xFFFFC000  }
0x71: {  	[tilespmem:s19], [sflag:$0x1] =	stream.linear.gather [spmem:s8], $0x4000, $0x38;
	[tilespmem:$0x18100] =	vst v63  }
0x72: {  	_ =	swait.ge [sflag:s20], $0x4000  }
0x73: {  	[sflag:s20] =	ssyncset.done $0x0  }
0x74: {  	[sflag:s20] =	ssyncadd.s32 $0xFFFFC000  }
0x75: {  	[hbm4b:s14+s3] =	stream.linear.scatter [tilespmem:s19], [sflag:$0x1], $0x4000, $0x38;
	[tilespmem:$0x18100] =	vst v63  }
0x76: {  	_ =	swait.ge [sflag:s20], $0x4000  }
0x77: {  	[sflag:s20] =	ssyncset.done $0x0  }
0x78: {  	[sflag:s20] =	ssyncadd.s32 $0xFFFFC000  }
0x79: {  	[tilespmem:s19], [sflag:$0x1] =	stream.linear.gather [spmem:s9], $0x4000, $0x38;
	[tilespmem:$0x18100] =	vst v63  }
0x7a: {  	s24 =	sadd.s32 $0x1, s24;
	_ =	swait.ge [sflag:s20], $0x4000  }
0x7b: {  	p0 =	sne.s32 s24, s16;
	[sflag:s20] =	ssyncset.done $0x0  }
.Ltmp3:
0x7c: {  	[sflag:s20] =	ssyncadd.s32 $0xFFFFC000;
	(pc) =	sbr.rel @p0 .LBB2_1-.Ltmp3, $4  }
0x7d: {  	[hbm4b:s15+s3] =	stream.linear.scatter [tilespmem:s19], [sflag:$0x1], $0x4000, $0x38;
	[tilespmem:$0x18100] =	vst v63  }
0x7e: {  	_ =	swait.ge [sflag:s20], $0x4000  }
0x7f: {  	[sflag:s20] =	ssyncset.done $0x0  }
0x80: {  	[sflag:s20] =	ssyncadd.s32 $0xFFFFC000  }
0x81: {  	_ =	sfence.sel $0x180000  }
0x82: {  	[bflag:$0x0] =	sbarrier.arrive $0xFFFF  }
0x83: {  	p0 =	sne.s32 s1, $0x0;
	_ =	strace $0x9000004A  }
0x84: {  	s0 =	sadd.s32 @!p0 $0x100000, s0;
	[bflag:$0x2] =	sbarrier.arrive $0xFFFF  }
0x85: {  	[sflag:s0] =	ssyncadd.tile.s32 @!p0 $0x1;
	_ =	shalt  }
.Lfunc_end2:
_tile_overlayer_lowered:
.L_overlay_start_2:
0x86: {  	(tag) =	ssettag $0x2  }
0x87: {  	s0 =	rddreg [dreg:$0x0];
	s2 =	stileid.u32  }
0x88: {  	s1 =	rddreg [dreg:$0x1];
	p0 =	sne.s32 s2, $0x0  }
0x89: {  	s3 =	rddreg [dreg:$0x2];
	[bflag:$0x3] =	sbarrier.arrive $0xFFFF;
	s2 =	simm.s32 @!p0 $0x1C01  }
0x8a: {  	[timem:s3], [sflag:s2] =	dma.local @!p0 [hbm:s0], s1  }
0x8b: {  	s0 =	simm.s32 @!p0 $0x1  }
0x8c: {  	_ =	swait.ge @!p0 [sflag:s0], s1  }
0x8d: {  	s1 =	ssub.s32 @!p0 $0x0, s1;
	[sflag:s0] =	ssyncset.done @!p0 $0x0  }
0x8e: {  	[sflag:s0] =	ssyncadd.s32 @!p0 s1  }
0x8f: {  	[bflag:$0x3] =	sbarrier.arrive $0xFFFF  }
0x90: {  	_ =	shalt  }

// kernel: kernel.15.cloned.1.call-start
scs
__scs_entry_jumppad:
0x0: {  	(pc) =	sbr.rel $0x88, $3  }
0x1: {  	(tag) =	ssettag $0x0;
	lr =	simm.s32 $0x1  }
0x2: {  	[smem:$0x3F9D] =	sst lr;
	_ =	strace $0xD0000000  }
0x3: {  	_ = 	snop  }
0x4: {  	_ = 	snop  }
0x5: {  	_ = 	snop  }
0x6: {  	_ = 	snop  }
0x7: {  	_ = 	snop  }
__scs_overlays_trampoline_lowered:
0x8: {  	[smem:$0x3FAC] =	sst s0  }
0x9: {  	[smem:$0x3FAD] =	sst s1  }
0xa: {  	[smem:$0x3FAE] =	sst s2  }
0xb: {  	[smem:$0x3FAF] =	sst s3  }
0xc: {  	[smem:$0x3FB0] =	sst s4  }
0xd: {  	[smem:$0x3FB1] =	sst s5  }
0xe: {  	[smem:$0x3FB2] =	sst s6  }
0xf: {  	[smem:$0x3FB3] =	sst s7  }
0x10: {  	[smem:$0x3FB4] =	sst s8  }
0x11: {  	[smem:$0x3FB5] =	sst s9;
	s0 =	simm.s32 @!p0 $0x0  }
0x12: {  	s1 =	sld [smem:$0x3F9B];
	s0 =	simm.s32 @p0 $0x1  }
0x13: {  	[smem:$0x3FB6] =	sst s0;
	s0 =	simm.s32 @!p1 $0x0  }
0x14: {  	s2 =	sld [smem:$0x3F9A];
	s0 =	simm.s32 @p1 $0x1  }
0x15: {  	[smem:$0x3FB7] =	sst s0;
	s0 =	simm.s32 @!p2 $0x0  }
0x16: {  	s3 =	sld [smem:$0x3FDB];
	s0 =	simm.s32 @p2 $0x1  }
0x17: {  	s4 =	simm.s32 $0x1BF5;
	[smem:$0x3FB9] =	sst s0  }
0x18: {  	s0 =	sld [smem:$0x3F9C];
	_ =	swait.ge [sflag:s4], $0x0  }
0x19: {  	s7 =	sld [smem:$0x3F9D]  }
0x1a: {  	s8 =	sadd.s32 $0xFFFFE003, lr  }
0x1b: {  	s9 =	sadd.s32 $0xFFFFFEF7, lr;
	s5 =	simm.s32 $0xFFFFFFFF;
	p2 =	slt.u32 s8, $0xFFFFF086  }
0x1c: {  	p1 =	slt.u32 s9, $0xF7A;
	s5 =	simm.s32 @!p2 $0x0  }
0x1d: {  	s5 =	simm.s32 @p1 $0x1;
	p0 =	seq.s32 s7, s2  }
0x1e: {  	s7 =	smul.u32 @!p0 $0xF7A, s2;
	p2 =	seq.s32 @!p0 s5, $0x0  }
0x1f: {  	s9 =	smul.u32 $0xF7A, s1;
	s8 =	simm.s32 @!p0 $0x1BF5;
	p2 =	por !p2, p0  }
0x20: {  	[sflag:s8] =	ssyncset.s32 @!p0 $0xFFFFF086;
	s6 =	sadd.s32 @!p0 s3, s7;
	s7 =	simm.s32 @!p0 $0x108  }
0x21: {  	s3 =	sadd.s32 s3, s9;
	s6 =	sadd.s32 @!p0 $0x88, s6;
	s7 =	simm.s32 @p2 $0x1082  }
0x22: {  	[simem:s7], [sflag:s8] =	dma.local @!p0 [hbm:s6], $0xF7A  }
0x23: {  	s9 =	sor.u32 $0xD0000000, s2;
	s6 =	simm.s32 $0x108;
	_ =	swait.ge @!p0 [sflag:s8], $0x0  }
0x24: {  	s3 =	sadd.s32 $0x88, s3;
	s6 =	simm.s32 @!p1 $0x1082;
	[sflag:s4] =	ssyncset.s32 $0xFFFFF086  }
0x25: {  	[simem:s6], [sflag:s4] =	dma.local [hbm:s3], $0xF7A  }
0x26: {  	[smem:$0x3F9D] =	sst s1;
	(tag) =	ssettag s2;
	_ =	strace s9  }
0x27: {  	s1 =	sld [smem:$0x3FAD]  }
0x28: {  	s2 =	sld [smem:$0x3FAE]  }
0x29: {  	s4 =	sld [smem:$0x3FB0]  }
0x2a: {  	p0 =	seq.s32 s5, $0x0;
	s5 =	sld [smem:$0x3FB1]  }
0x2b: {  	s6 =	sld [smem:$0x3FB2]  }
0x2c: {  	s7 =	sld [smem:$0x3FB3]  }
0x2d: {  	s3 =	simm.s32 $0x108;
	s8 =	sld [smem:$0x3FB4]  }
0x2e: {  	s3 =	simm.s32 @!p0 $0x1082;
	s9 =	sld [smem:$0x3FB5]  }
0x2f: {  	lr =	sadd.s32 s0, s3;
	s0 =	sld [smem:$0x3FAC]  }
0x30: {  	s3 =	sld [smem:$0x3FAF]  }
0x31: {  	[smem:$0x3FB8] =	sst s10  }
0x32: {  	s10 =	sld [smem:$0x3FB6];
	_ =	sdelay $0x3  }
0x33: {  	p0 =	seq.s32 s10, $0x1;
	s10 =	sld [smem:$0x3FB8];
	_ =	sdelay $0x3  }
0x34: {  	[smem:$0x3FB8] =	sst s10  }
0x35: {  	s10 =	sld [smem:$0x3FB7];
	_ =	sdelay $0x3  }
0x36: {  	p1 =	seq.s32 s10, $0x1;
	s10 =	sld [smem:$0x3FB8];
	_ =	sdelay $0x3  }
0x37: {  	[smem:$0x3FB8] =	sst s10  }
0x38: {  	s10 =	sld [smem:$0x3FB9]  }
0x39: {  	_ = 	snop;
	(pc) =	sbr.ind lr, $3  }
0x3a: {  	_ = 	snop  }
0x3b: {  	_ = 	snop  }
0x3c: {  	p2 =	seq.s32 s10, $0x1;
	s10 =	sld [smem:$0x3FB8]  }
0x3d: {  	_ =	shalt  }
0x3e: {  	_ =	shalt  }
0x3f: {  	_ =	shalt  }
0x40: {  	_ =	shalt  }
0x41: {  	_ =	shalt  }
0x42: {  	_ =	shalt  }
0x43: {  	_ =	shalt  }
0x44: {  	_ =	shalt  }
0x45: {  	_ =	shalt  }
0x46: {  	_ =	shalt  }
0x47: {  	_ =	shalt  }
0x48: {  	_ =	shalt  }
0x49: {  	_ =	shalt  }
0x4a: {  	_ =	shalt  }
0x4b: {  	_ =	shalt  }
0x4c: {  	_ =	shalt  }
0x4d: {  	_ =	shalt  }
0x4e: {  	_ =	shalt  }
0x4f: {  	_ =	shalt  }
0x50: {  	_ =	shalt  }
0x51: {  	_ =	shalt  }
0x52: {  	_ =	shalt  }
0x53: {  	_ =	shalt  }
0x54: {  	_ =	shalt  }
0x55: {  	_ =	shalt  }
0x56: {  	_ =	shalt  }
0x57: {  	_ =	shalt  }
0x58: {  	_ =	shalt  }
0x59: {  	_ =	shalt  }
0x5a: {  	_ =	shalt  }
0x5b: {  	_ =	shalt  }
0x5c: {  	_ =	shalt  }
0x5d: {  	_ =	shalt  }
0x5e: {  	_ =	shalt  }
0x5f: {  	_ =	shalt  }
0x60: {  	_ =	shalt  }
0x61: {  	_ =	shalt  }
0x62: {  	_ =	shalt  }
0x63: {  	_ =	shalt  }
0x64: {  	_ =	shalt  }
0x65: {  	_ =	shalt  }
0x66: {  	_ =	shalt  }
0x67: {  	_ =	shalt  }
0x68: {  	_ =	shalt  }
0x69: {  	_ =	shalt  }
0x6a: {  	_ =	shalt  }
0x6b: {  	_ =	shalt  }
0x6c: {  	_ =	shalt  }
0x6d: {  	_ =	shalt  }
0x6e: {  	_ =	shalt  }
0x6f: {  	_ =	shalt  }
0x70: {  	_ =	shalt  }
0x71: {  	_ =	shalt  }
0x72: {  	_ =	shalt  }
0x73: {  	_ =	shalt  }
0x74: {  	_ =	shalt  }
0x75: {  	_ =	shalt  }
0x76: {  	_ =	shalt  }
0x77: {  	_ =	shalt  }
0x78: {  	_ =	shalt  }
0x79: {  	_ =	shalt  }
0x7a: {  	_ =	shalt  }
0x7b: {  	_ =	shalt  }
0x7c: {  	_ =	shalt  }
0x7d: {  	_ =	shalt  }
0x7e: {  	_ =	shalt  }
0x7f: {  	_ =	shalt  }
0x80: {  	_ =	shalt  }
0x81: {  	_ =	shalt  }
0x82: {  	_ =	shalt  }
0x83: {  	_ =	shalt  }
0x84: {  	_ =	shalt  }
0x85: {  	_ =	shalt  }
0x86: {  	_ =	shalt  }
0x87: {  	_ =	shalt  }
.Lfunc_end0:
.L_simem_size_0:
called_computation.2_lowered:
.L_overlay_start_0:
0x88: {  	s2 =	sld [smem:$0x3FD9]  }
0x89: {  	s3 =	sld [smem:$0x3FFE];
	_ =	sdelay $0x1  }
0x8a: {  	s1 =	srdreg.scid  }
0x8b: {  	s0 =	sand.u32 $0x1, s1  }
0x8c: {  	s14 =	sshll.u32 s0, $0xA;
	s2 =	sadd.s32 s3, s2  }
0x8d: {  	s2 =	sadd.s32 s2, s14  }
0x8e: {  	[smem:$0x3FC4] =	sst s2  }
0x8f: {  	_ = 	snop  }
0x90: {  	s2 =	sld [smem:$0x3FD0];
	_ =	sdelay $0x2  }
0x91: {  	s4 =	simm.s32 $0xA;
	s5 =	simm.s32 $0x10;
	s15 =	sld [smem:$0x3FC9]  }
0x92: {  	[smem:s5], [sflag:s4] =	dma.local [hbm:s2], $0x1  }
0x93: {  	_ =	swait.eq [sflag:s4], $0x1  }
0x94: {  	[sflag:s4] =	ssyncset.done $0x0  }
0x95: {  	[sflag:s4] =	ssyncadd.s32 $0xFFFFFFFF  }
0x96: {  	s16 =	sld [smem:$0x10];
	(tm) =	ssettm $0x1  }
0x97: {  	s17 =	sld [smem:$0x3FFB];
	_ =	sdelay $0x3  }
0x98: {  	_ =	strace s17  }
0x99: {  	s4 =	sld [smem:$0x3FFC];
	_ =	sdelay $0x3  }
0x9a: {  	_ =	strace s4  }
0x9b: {  	s4 =	sld [smem:$0x3FFD];
	_ =	sdelay $0x3  }
0x9c: {  	_ =	strace s4  }
0x9d: {  	_ =	strace $0x8FFFFFFF  }
0x9e: {  	s18 =	sld [smem:$0x3FDB];
	_ =	sdelay $0x1  }
0x9f: {  	s19 =	simm.s32 $_scs_section_size  }
0xa0: {  	s6 =	simm.s32 $_size__tile_overlayer_lowered;
	s7 =	simm.s32 $_tile_overlayer_lowered  }
0xa1: {  	s22 =	simm.s32 $0x1BFF;
	s21 =	sshll.u32 s7, $0x1;
	s4 =	sadd.s32 s19, s18  }
0xa2: {  	s8 =	simm.s32 $0x0;
	s20 =	sshll.u32 s6, $0x1;
	s6 =	sadd.s32 s21, s4  }
0xa3: {  	[timem:s8], [sflag:s22] =	dma.local [hbm:s6], s20  }
0xa4: {  	_ =	swait.ge [sflag:s22], s20  }
0xa5: {  	s5 =	ssub.s32 $0x0, s20;
	[sflag:s22] =	ssyncset.done $0x0  }
0xa6: {  	[sflag:s22] =	ssyncadd.s32 s5;
	_ =	sdelay $0x1  }
0xa7: {  	s23 =	simm.s32 $0x1B8B  }
0xa8: {  	_ =	swait.ge [sflag:s23], $0x1  }
0xa9: {  	[sflag:s23] =	ssyncset.done $0x0  }
0xaa: {  	s25 =	simm.s32 $0x1B8E;
	s24 =	sld [smem:$0x3FFE];
	[sflag:s23] =	ssyncadd.s32 $0xFFFFFFFF  }
0xab: {  	s26 =	simm.s32 $execute0_lowered;
	[smem:$0x3FD2] =	sst s25  }
0xac: {  	s6 =	sshll.u32 s26, $0x1;
	_ =	strace $0x8000004C;
	[dreg:$0x1] =	wrdreg $0xFFFFFFFF  }
0xad: {  	s28 =	simm.s32 $_size_execute0_lowered;
	s4 =	sadd.s32 s4, s6;
	[dreg:$0x0] =	wrdreg $0x0  }
0xae: {  	s6 =	sshll.u32 s28, $0x1;
	[dreg:$0x2] =	wrdreg s4  }
0xaf: {  	[dreg:$0x3] =	wrdreg s6  }
0xb0: {  	[dreg:$0x4] =	wrdreg $0xC0  }
0xb1: {  	_ =	task [dreg:s8], $0x5FFFF  }
0xb2: {  	[dreg:$0x1] =	wrdreg $0xFFFFFFFF  }
0xb3: {  	[dreg:$0x0] =	wrdreg $0x60  }
0xb4: {  	[dreg:$0x2] =	wrdreg s15  }
0xb5: {  	[dreg:$0x3] =	wrdreg s16  }
0xb6: {  	[dreg:$0x4] =	wrdreg s24  }
0xb7: {  	[dreg:$0x5] =	wrdreg $0x9  }
0xb8: {  	_ =	task.clear_ibuf [dreg:s8], $0x6FFFF;
	_ =	strace $0x9000004C  }
0xb9: {  	s29 =	simm.s32 $0x9;
	_ =	strace $0x8000004E  }
0xba: {  	_ =	swait.ge [sflag:s29], $0x1  }
0xbb: {  	[sflag:s29] =	ssyncadd.s32 $0xFFFFFFFF  }
0xbc: {  	_ =	strace $0x9000004E  }
0xbd: {  	_ =	sfence  }
0xbe: {  	s30 =	sld [smem:$0x0];
	_ =	sdelay $0x2  }
0xbf: {  	s31 =	sshll.u32 s1, $0xD;
	s1 =	sshrl.u32 s1, $0x2  }
0xc0: {  	s3 =	sand.u32 $0x4000, s31;
	s1 =	sadd.s32 s1, s30  }
0xc1: {  	s0 =	sor.u32 s3, s0;
	s1 =	sshll.u32 s1, $0x11  }
0xc2: {  	s0 =	sor.u32 s1, s0  }
0xc3: {  	s0 =	sadd.s32 $0x8F2B, s0  }
0xc4: {  	[sflag:s0] =	ssyncadd.remote.s32 $0x1  }
0xc5: {  	_ =	sfence.sel $0xFFFF  }
0xc6: {  	[dreg:$0x0] =	wrdreg $0xFFFFFFFF;
	(pc) =	sbr.abs _section_cstart, $3  }
0xc7: {  	[dreg:$0x1] =	wrdreg $0xFFFFFFFF  }
0xc8: {  	_ =	task.clear_ibuf [dreg:s8], $0x2FFFF;
	_ =	strace $0x9FFFFFFF  }
0xc9: {  	(tm) =	ssettm $0x7FFFFFFF  }
tec
execute0_lowered:
.L_overlay_start_1:
0x0: {  	(tag) =	ssettag $0x1  }
0x1: {  	s0 =	srdreg.scid  }
0x2: {  	s10 =	sand.u32 $0x1, s0  }
0x3: {  	s2 =	rddreg [dreg:$0x0];
	s0 =	stileid.u32;
	s1 =	sshll.u32 s10, $0x4  }
0x4: {  	s4 =	rddreg [dreg:$0x1];
	s11 =	sor.u32 s0, s1  }
0x5: {  	s12 =	rddreg [dreg:$0x2];
	s3 =	simm.s32 $0x0;
	s5 =	smul.u32 $0xA0, s11  }
0x6: {  	[smem:$0x7FF] =	sst s3  }
0x7: {  	s1 =	rddreg [dreg:$0x3];
	s5 =	sshrl.u32 s5, $0x3  }
0x8: {  	_ =	strace $0x8000004D;
	s5 =	sadd.s32 s4, s5;
	s4 =	simm.s32 $0x1  }
0x9: {  	[tilespmem:s3], [sflag:$0x1] =	stream.linear.gather [hbm4b:s5+s3], $0x50, $0x38;
	[tilespmem:$0x5100] =	vst v63  }
0xa: {  	_ =	swait.ge [sflag:s4], $0x50  }
0xb: {  	[sflag:s4] =	ssyncset.done $0x0  }
0xc: {  	s7 =	simm.s32 $0x80;
	s6 =	sadd.s32 $0xA, s5;
	[sflag:s4] =	ssyncadd.s32 $0xFFFFFFB0  }
0xd: {  	[tilespmem:s7], [sflag:$0x1] =	stream.linear.gather [hbm4b:s6+s3], $0x50, $0x38;
	[tilespmem:$0x5100] =	vst v63  }
0xe: {  	_ =	swait.ge [sflag:s4], $0x50  }
0xf: {  	s8 =	simm.s32 $0x50;
	[sflag:s4] =	ssyncset.done $0x0  }
0x10: {  	s9 =	simm.s32 $0x100;
	s13 =	ssub.s32 $0x2, s10;
	[sflag:s4] =	ssyncadd.s32 $0xFFFFFFB0  }
0x11: {  	[tilespmem:s9], [sflag:$0x1] =	stream.indirect.gather [hbm4b:s2+s8], $0x80, s3, s8, $0xb8;
	[tilespmem:$0x5100] =	vst v63  }
0x12: {  	s14 =	sshrl.u32 s13, $0x1;
	s11 =	smul.u32 $0xA00, s11;
	_ =	swait.ge [sflag:s4], $0x2800  }
0x13: {  	s10 =	simm.s32 $0x2900;
	s31 =	ssub.s32 s13, s14;
	[sflag:s4] =	ssyncset.done $0x0  }
0x14: {  	s11 =	sadd.s32 s11, s12;
	s12 =	smax.u32 s31, $0x1;
	[sflag:s4] =	ssyncadd.s32 $0xFFFFD800  }
0x15: {  	[tilespmem:s10], [sflag:$0x1] =	stream.indirect.gather [hbm4b:s2+s8], $0x80, s7, s8, $0xb8;
	[tilespmem:$0x5100] =	vst v63  }
0x16: {  	p0 =	sne.s32 s12, $0x1;
	_ =	swait.ge [sflag:s4], $0x2800  }
.Ltmp0:
0x17: {  	[sflag:s4] =	ssyncset.done $0x0;
	(pc) =	sbr.rel @!p0 .LBB2_2-.Ltmp0, $4  }
0x18: {  	s11 =	sadd.s32 $0x1400, s11;
	[sflag:s4] =	ssyncadd.s32 $0xFFFFD800  }
0x19: {  	[hbm4b:s11+s3] =	stream.linear.scatter [tilespmem:s9], [sflag:$0x1], $0x5000, $0x38;
	[tilespmem:$0x5100] =	vst v63  }
0x1a: {  	_ =	swait.ge [sflag:s4], $0x5000  }
0x1b: {  	s12 =	sadd.s32 $0xFFFFFFFF, s12;
	[sflag:s4] =	ssyncset.done $0x0  }
.LBB2_1:
0x1c: {  	p0 =	sne.s32 s12, $0x1;
	s12 =	sadd.s32 $0xFFFFFFFF, s12;
	[sflag:s4] =	ssyncadd.s32 $0xFFFFB000  }
0x1d: {  	[tilespmem:s3], [sflag:$0x1] =	stream.linear.gather [hbm4b:s5+s3], $0x50, $0x38;
	[tilespmem:$0x5100] =	vst v63  }
0x1e: {  	_ =	swait.ge [sflag:s4], $0x50  }
0x1f: {  	[sflag:s4] =	ssyncset.done $0x0  }
0x20: {  	[sflag:s4] =	ssyncadd.s32 $0xFFFFFFB0  }
0x21: {  	[tilespmem:s7], [sflag:$0x1] =	stream.linear.gather [hbm4b:s6+s3], $0x50, $0x38;
	[tilespmem:$0x5100] =	vst v63  }
0x22: {  	_ =	swait.ge [sflag:s4], $0x50  }
0x23: {  	[sflag:s4] =	ssyncset.done $0x0  }
0x24: {  	[sflag:s4] =	ssyncadd.s32 $0xFFFFFFB0  }
0x25: {  	[tilespmem:s9], [sflag:$0x1] =	stream.indirect.gather [hbm4b:s2+s8], $0x80, s3, s8, $0xb8;
	[tilespmem:$0x5100] =	vst v63  }
0x26: {  	_ =	swait.ge [sflag:s4], $0x2800  }
0x27: {  	[sflag:s4] =	ssyncset.done $0x0  }
0x28: {  	[sflag:s4] =	ssyncadd.s32 $0xFFFFD800  }
0x29: {  	[tilespmem:s10], [sflag:$0x1] =	stream.indirect.gather [hbm4b:s2+s8], $0x80, s7, s8, $0xb8;
	[tilespmem:$0x5100] =	vst v63  }
0x2a: {  	_ =	swait.ge [sflag:s4], $0x2800  }
.Ltmp1:
0x2b: {  	[sflag:s4] =	ssyncset.done $0x0;
	(pc) =	sbr.rel @p0 .LBB2_1-.Ltmp1, $4  }
0x2c: {  	[sflag:s4] =	ssyncadd.s32 $0xFFFFD800  }
0x2d: {  	[hbm4b:s11+s3] =	stream.linear.scatter [tilespmem:s9], [sflag:$0x1], $0x5000, $0x38;
	[tilespmem:$0x5100] =	vst v63  }
0x2e: {  	_ =	swait.ge [sflag:s4], $0x5000  }
0x2f: {  	[sflag:s4] =	ssyncset.done $0x0  }
.LBB2_2:
0x30: {  	[sflag:s4] =	ssyncadd.s32 $0xFFFFB000  }
0x31: {  	_ =	sfence.sel $0x180000  }
0x32: {  	[bflag:$0x0] =	sbarrier.arrive $0xFFFF  }
0x33: {  	p0 =	sne.s32 s0, $0x0;
	_ =	strace $0x9000004D  }
0x34: {  	s0 =	sadd.s32 @!p0 $0x100000, s1;
	[bflag:$0x2] =	sbarrier.arrive $0xFFFF  }
0x35: {  	[sflag:s0] =	ssyncadd.tile.s32 @!p0 $0x1;
	_ =	shalt  }
.Lfunc_end2:
_tile_overlayer_lowered:
.L_overlay_start_2:
0x36: {  	(tag) =	ssettag $0x2  }
0x37: {  	s0 =	rddreg [dreg:$0x0];
	s2 =	stileid.u32  }
0x38: {  	s1 =	rddreg [dreg:$0x1];
	p0 =	sne.s32 s2, $0x0  }
0x39: {  	s3 =	rddreg [dreg:$0x2];
	[bflag:$0x3] =	sbarrier.arrive $0xFFFF;
	s2 =	simm.s32 @!p0 $0x1C01  }
0x3a: {  	[timem:s3], [sflag:s2] =	dma.local @!p0 [hbm:s0], s1  }
0x3b: {  	s0 =	simm.s32 @!p0 $0x1  }
0x3c: {  	_ =	swait.ge @!p0 [sflag:s0], s1  }
0x3d: {  	s1 =	ssub.s32 @!p0 $0x0, s1;
	[sflag:s0] =	ssyncset.done @!p0 $0x0  }
0x3e: {  	[sflag:s0] =	ssyncadd.s32 @!p0 s1  }
0x3f: {  	[bflag:$0x3] =	sbarrier.arrive $0xFFFF  }
0x40: {  	_ =	shalt  }

// kernel: kernel.9.cloned.1.call-start
scs
__scs_entry_jumppad:
0x0: {  	(pc) =	sbr.rel $0x88, $3  }
0x1: {  	(tag) =	ssettag $0x0;
	lr =	simm.s32 $0x1  }
0x2: {  	[smem:$0x3F9D] =	sst lr;
	_ =	strace $0xD0000000  }
0x3: {  	_ = 	snop  }
0x4: {  	_ = 	snop  }
0x5: {  	_ = 	snop  }
0x6: {  	_ = 	snop  }
0x7: {  	_ = 	snop  }
__scs_overlays_trampoline_lowered:
0x8: {  	[smem:$0x3FAC] =	sst s0  }
0x9: {  	[smem:$0x3FAD] =	sst s1  }
0xa: {  	[smem:$0x3FAE] =	sst s2  }
0xb: {  	[smem:$0x3FAF] =	sst s3  }
0xc: {  	[smem:$0x3FB0] =	sst s4  }
0xd: {  	[smem:$0x3FB1] =	sst s5  }
0xe: {  	[smem:$0x3FB2] =	sst s6  }
0xf: {  	[smem:$0x3FB3] =	sst s7  }
0x10: {  	[smem:$0x3FB4] =	sst s8  }
0x11: {  	[smem:$0x3FB5] =	sst s9;
	s0 =	simm.s32 @!p0 $0x0  }
0x12: {  	s1 =	sld [smem:$0x3F9B];
	s0 =	simm.s32 @p0 $0x1  }
0x13: {  	[smem:$0x3FB6] =	sst s0;
	s0 =	simm.s32 @!p1 $0x0  }
0x14: {  	s2 =	sld [smem:$0x3F9A];
	s0 =	simm.s32 @p1 $0x1  }
0x15: {  	[smem:$0x3FB7] =	sst s0;
	s0 =	simm.s32 @!p2 $0x0  }
0x16: {  	s3 =	sld [smem:$0x3FDB];
	s0 =	simm.s32 @p2 $0x1  }
0x17: {  	s4 =	simm.s32 $0x1BF5;
	[smem:$0x3FB9] =	sst s0  }
0x18: {  	s0 =	sld [smem:$0x3F9C];
	_ =	swait.ge [sflag:s4], $0x0  }
0x19: {  	s7 =	sld [smem:$0x3F9D]  }
0x1a: {  	s8 =	sadd.s32 $0xFFFFE003, lr  }
0x1b: {  	s9 =	sadd.s32 $0xFFFFFEF7, lr;
	s5 =	simm.s32 $0xFFFFFFFF;
	p2 =	slt.u32 s8, $0xFFFFF086  }
0x1c: {  	p1 =	slt.u32 s9, $0xF7A;
	s5 =	simm.s32 @!p2 $0x0  }
0x1d: {  	s5 =	simm.s32 @p1 $0x1;
	p0 =	seq.s32 s7, s2  }
0x1e: {  	s7 =	smul.u32 @!p0 $0xF7A, s2;
	p2 =	seq.s32 @!p0 s5, $0x0  }
0x1f: {  	s9 =	smul.u32 $0xF7A, s1;
	s8 =	simm.s32 @!p0 $0x1BF5;
	p2 =	por !p2, p0  }
0x20: {  	[sflag:s8] =	ssyncset.s32 @!p0 $0xFFFFF086;
	s6 =	sadd.s32 @!p0 s3, s7;
	s7 =	simm.s32 @!p0 $0x108  }
0x21: {  	s3 =	sadd.s32 s3, s9;
	s6 =	sadd.s32 @!p0 $0x88, s6;
	s7 =	simm.s32 @p2 $0x1082  }
0x22: {  	[simem:s7], [sflag:s8] =	dma.local @!p0 [hbm:s6], $0xF7A  }
0x23: {  	s9 =	sor.u32 $0xD0000000, s2;
	s6 =	simm.s32 $0x108;
	_ =	swait.ge @!p0 [sflag:s8], $0x0  }
0x24: {  	s3 =	sadd.s32 $0x88, s3;
	s6 =	simm.s32 @!p1 $0x1082;
	[sflag:s4] =	ssyncset.s32 $0xFFFFF086  }
0x25: {  	[simem:s6], [sflag:s4] =	dma.local [hbm:s3], $0xF7A  }
0x26: {  	[smem:$0x3F9D] =	sst s1;
	(tag) =	ssettag s2;
	_ =	strace s9  }
0x27: {  	s1 =	sld [smem:$0x3FAD]  }
0x28: {  	s2 =	sld [smem:$0x3FAE]  }
0x29: {  	s4 =	sld [smem:$0x3FB0]  }
0x2a: {  	p0 =	seq.s32 s5, $0x0;
	s5 =	sld [smem:$0x3FB1]  }
0x2b: {  	s6 =	sld [smem:$0x3FB2]  }
0x2c: {  	s7 =	sld [smem:$0x3FB3]  }
0x2d: {  	s3 =	simm.s32 $0x108;
	s8 =	sld [smem:$0x3FB4]  }
0x2e: {  	s3 =	simm.s32 @!p0 $0x1082;
	s9 =	sld [smem:$0x3FB5]  }
0x2f: {  	lr =	sadd.s32 s0, s3;
	s0 =	sld [smem:$0x3FAC]  }
0x30: {  	s3 =	sld [smem:$0x3FAF]  }
0x31: {  	[smem:$0x3FB8] =	sst s10  }
0x32: {  	s10 =	sld [smem:$0x3FB6];
	_ =	sdelay $0x3  }
0x33: {  	p0 =	seq.s32 s10, $0x1;
	s10 =	sld [smem:$0x3FB8];
	_ =	sdelay $0x3  }
0x34: {  	[smem:$0x3FB8] =	sst s10  }
0x35: {  	s10 =	sld [smem:$0x3FB7];
	_ =	sdelay $0x3  }
0x36: {  	p1 =	seq.s32 s10, $0x1;
	s10 =	sld [smem:$0x3FB8];
	_ =	sdelay $0x3  }
0x37: {  	[smem:$0x3FB8] =	sst s10  }
0x38: {  	s10 =	sld [smem:$0x3FB9]  }
0x39: {  	_ = 	snop;
	(pc) =	sbr.ind lr, $3  }
0x3a: {  	_ = 	snop  }
0x3b: {  	_ = 	snop  }
0x3c: {  	p2 =	seq.s32 s10, $0x1;
	s10 =	sld [smem:$0x3FB8]  }
0x3d: {  	_ =	shalt  }
0x3e: {  	_ =	shalt  }
0x3f: {  	_ =	shalt  }
0x40: {  	_ =	shalt  }
0x41: {  	_ =	shalt  }
0x42: {  	_ =	shalt  }
0x43: {  	_ =	shalt  }
0x44: {  	_ =	shalt  }
0x45: {  	_ =	shalt  }
0x46: {  	_ =	shalt  }
0x47: {  	_ =	shalt  }
0x48: {  	_ =	shalt  }
0x49: {  	_ =	shalt  }
0x4a: {  	_ =	shalt  }
0x4b: {  	_ =	shalt  }
0x4c: {  	_ =	shalt  }
0x4d: {  	_ =	shalt  }
0x4e: {  	_ =	shalt  }
0x4f: {  	_ =	shalt  }
0x50: {  	_ =	shalt  }
0x51: {  	_ =	shalt  }
0x52: {  	_ =	shalt  }
0x53: {  	_ =	shalt  }
0x54: {  	_ =	shalt  }
0x55: {  	_ =	shalt  }
0x56: {  	_ =	shalt  }
0x57: {  	_ =	shalt  }
0x58: {  	_ =	shalt  }
0x59: {  	_ =	shalt  }
0x5a: {  	_ =	shalt  }
0x5b: {  	_ =	shalt  }
0x5c: {  	_ =	shalt  }
0x5d: {  	_ =	shalt  }
0x5e: {  	_ =	shalt  }
0x5f: {  	_ =	shalt  }
0x60: {  	_ =	shalt  }
0x61: {  	_ =	shalt  }
0x62: {  	_ =	shalt  }
0x63: {  	_ =	shalt  }
0x64: {  	_ =	shalt  }
0x65: {  	_ =	shalt  }
0x66: {  	_ =	shalt  }
0x67: {  	_ =	shalt  }
0x68: {  	_ =	shalt  }
0x69: {  	_ =	shalt  }
0x6a: {  	_ =	shalt  }
0x6b: {  	_ =	shalt  }
0x6c: {  	_ =	shalt  }
0x6d: {  	_ =	shalt  }
0x6e: {  	_ =	shalt  }
0x6f: {  	_ =	shalt  }
0x70: {  	_ =	shalt  }
0x71: {  	_ =	shalt  }
0x72: {  	_ =	shalt  }
0x73: {  	_ =	shalt  }
0x74: {  	_ =	shalt  }
0x75: {  	_ =	shalt  }
0x76: {  	_ =	shalt  }
0x77: {  	_ =	shalt  }
0x78: {  	_ =	shalt  }
0x79: {  	_ =	shalt  }
0x7a: {  	_ =	shalt  }
0x7b: {  	_ =	shalt  }
0x7c: {  	_ =	shalt  }
0x7d: {  	_ =	shalt  }
0x7e: {  	_ =	shalt  }
0x7f: {  	_ =	shalt  }
0x80: {  	_ =	shalt  }
0x81: {  	_ =	shalt  }
0x82: {  	_ =	shalt  }
0x83: {  	_ =	shalt  }
0x84: {  	_ =	shalt  }
0x85: {  	_ =	shalt  }
0x86: {  	_ =	shalt  }
0x87: {  	_ =	shalt  }
.Lfunc_end0:
.L_simem_size_0:
called_computation_lowered:
.L_overlay_start_0:
0x88: {  	s2 =	sld [smem:$0x3FD9]  }
0x89: {  	s3 =	sld [smem:$0x3FFE];
	_ =	sdelay $0x1  }
0x8a: {  	s1 =	srdreg.scid  }
0x8b: {  	s0 =	sand.u32 $0x1, s1  }
0x8c: {  	s14 =	sshll.u32 s0, $0xA;
	s2 =	sadd.s32 s3, s2  }
0x8d: {  	s2 =	sadd.s32 s2, s14  }
0x8e: {  	[smem:$0x3FC4] =	sst s2  }
0x8f: {  	_ = 	snop  }
0x90: {  	s2 =	sld [smem:$0x3FD0];
	_ =	sdelay $0x2  }
0x91: {  	s15 =	simm.s32 $0xA;
	s4 =	simm.s32 $0x10  }
0x92: {  	[smem:s4], [sflag:s15] =	dma.local [hbm:s2], $0x1  }
0x93: {  	_ =	swait.eq [sflag:s15], $0x1  }
0x94: {  	[sflag:s15] =	ssyncset.done $0x0  }
0x95: {  	[sflag:s15] =	ssyncadd.s32 $0xFFFFFFFF  }
0x96: {  	s16 =	sld [smem:$0x10];
	(tm) =	ssettm $0x1  }
0x97: {  	s17 =	sld [smem:$0x3FFB];
	_ =	sdelay $0x3  }
0x98: {  	_ =	strace s17  }
0x99: {  	s3 =	sld [smem:$0x3FFC];
	_ =	sdelay $0x3  }
0x9a: {  	_ =	strace s3  }
0x9b: {  	s3 =	sld [smem:$0x3FFD];
	_ =	sdelay $0x3  }
0x9c: {  	_ =	strace s3  }
0x9d: {  	_ =	strace $0x8FFFFFFF  }
0x9e: {  	s18 =	sld [smem:$0x3FDB];
	_ =	sdelay $0x1  }
0x9f: {  	s19 =	simm.s32 $_scs_section_size  }
0xa0: {  	s5 =	simm.s32 $_size__tile_overlayer_lowered;
	s6 =	simm.s32 $_tile_overlayer_lowered  }
0xa1: {  	s22 =	simm.s32 $0x1BFF;
	s21 =	sshll.u32 s6, $0x1;
	s3 =	sadd.s32 s19, s18  }
0xa2: {  	s7 =	simm.s32 $0x0;
	s20 =	sshll.u32 s5, $0x1;
	s5 =	sadd.s32 s21, s3  }
0xa3: {  	[timem:s7], [sflag:s22] =	dma.local [hbm:s5], s20  }
0xa4: {  	_ =	swait.ge [sflag:s22], s20  }
0xa5: {  	s4 =	ssub.s32 $0x0, s20;
	[sflag:s22] =	ssyncset.done $0x0  }
0xa6: {  	[sflag:s22] =	ssyncadd.s32 s4;
	_ =	sdelay $0x1  }
0xa7: {  	s23 =	simm.s32 $0x1B8B  }
0xa8: {  	_ =	swait.ge [sflag:s23], $0x1  }
0xa9: {  	[sflag:s23] =	ssyncset.done $0x0  }
0xaa: {  	s25 =	simm.s32 $0x1B8E;
	s24 =	sld [smem:$0x3FFE];
	[sflag:s23] =	ssyncadd.s32 $0xFFFFFFFF  }
0xab: {  	s26 =	simm.s32 $execute0_lowered;
	[smem:$0x3FD2] =	sst s25  }
0xac: {  	s5 =	sshll.u32 s26, $0x1;
	_ =	strace $0x80000046;
	[dreg:$0x1] =	wrdreg $0xFFFFFFFF  }
0xad: {  	s28 =	simm.s32 $_size_execute0_lowered;
	s3 =	sadd.s32 s3, s5;
	[dreg:$0x0] =	wrdreg $0x0  }
0xae: {  	s5 =	sshll.u32 s28, $0x1;
	[dreg:$0x2] =	wrdreg s3  }
0xaf: {  	[dreg:$0x3] =	wrdreg s5  }
0xb0: {  	[dreg:$0x4] =	wrdreg $0xC0  }
0xb1: {  	_ =	task [dreg:s7], $0x5FFFF  }
0xb2: {  	[dreg:$0x1] =	wrdreg $0xFFFFFFFF  }
0xb3: {  	[dreg:$0x0] =	wrdreg $0x60  }
0xb4: {  	[dreg:$0x2] =	wrdreg s24  }
0xb5: {  	[dreg:$0x3] =	wrdreg s16  }
0xb6: {  	[dreg:$0x4] =	wrdreg $0x0  }
0xb7: {  	[dreg:$0x5] =	wrdreg $0x2800  }
0xb8: {  	[dreg:$0x6] =	wrdreg $0x9  }
0xb9: {  	_ =	task.clear_ibuf [dreg:s7], $0x7FFFF;
	_ =	strace $0x90000046  }
0xba: {  	s29 =	simm.s32 $0x9;
	_ =	strace $0x80000048  }
0xbb: {  	_ =	swait.ge [sflag:s29], $0x1  }
0xbc: {  	[sflag:s29] =	ssyncadd.s32 $0xFFFFFFFF  }
0xbd: {  	_ =	strace $0x90000048  }
0xbe: {  	_ =	sfence  }
0xbf: {  	s30 =	sld [smem:$0x0];
	_ =	sdelay $0x2  }
0xc0: {  	s31 =	sshll.u32 s1, $0xD;
	s1 =	sshrl.u32 s1, $0x2  }
0xc1: {  	s3 =	sand.u32 $0x4000, s31;
	s1 =	sadd.s32 s1, s30  }
0xc2: {  	s0 =	sor.u32 s3, s0;
	s1 =	sshll.u32 s1, $0x11  }
0xc3: {  	s0 =	sor.u32 s1, s0  }
0xc4: {  	s0 =	sadd.s32 $0x8F2B, s0  }
0xc5: {  	[sflag:s0] =	ssyncadd.remote.s32 $0x1  }
0xc6: {  	_ =	sfence.sel $0xFFFF  }
0xc7: {  	[dreg:$0x0] =	wrdreg $0xFFFFFFFF;
	(pc) =	sbr.abs _section_cstart, $3  }
0xc8: {  	[dreg:$0x1] =	wrdreg $0xFFFFFFFF  }
0xc9: {  	_ =	task.clear_ibuf [dreg:s7], $0x2FFFF;
	_ =	strace $0x9FFFFFFF  }
0xca: {  	(tm) =	ssettm $0x7FFFFFFF  }
0xcb: {  	_ =	shalt  }
tec
execute0_lowered:
.L_overlay_start_1:
0x0: {  	(tag) =	ssettag $0x1  }
0x1: {  	s5 =	rddreg [dreg:$0x0]  }
0x2: {  	s11 =	rddreg [dreg:$0x1]  }
0x3: {  	s1 =	rddreg [dreg:$0x2]  }
0x4: {  	s0 =	srdreg.scid;
	s2 =	rddreg [dreg:$0x3]  }
0x5: {  	s3 =	rddreg [dreg:$0x4];
	s4 =	simm.s32 $0x0;
	s14 =	simm.s32 $0x1  }
0x6: {  	s15 =	simm.s32 $0x500;
	s16 =	simm.s32 $0x80;
	s17 =	simm.s32 $0x580  }
0x7: {  	s18 =	simm.s32 $0x100;
	s6 =	sand.u32 $0x1, s0;
	s0 =	stileid.u32  }
0x8: {  	s19 =	simm.s32 $0x0;
	[smem:$0x7FF] =	sst s4;
	s7 =	smul.u32 $0x5000, s6  }
0x9: {  	s8 =	sshll.u32 s6, $0xB;
	s9 =	sshll.u32 s0, $0x7;
	s10 =	smul.u32 $0x500, s0  }
0xa: {  	_ =	strace $0x80000047;
	s28 =	ssub.s32 $0x2, s6;
	s6 =	sshll.u32 s6, $0x4  }
0xb: {  	s30 =	smul.u32 $0x280, s0;
	s8 =	sor.u32 s9, s8;
	s29 =	sshrl.u32 s28, $0x1  }
0xc: {  	s6 =	sor.u32 s0, s6;
	s12 =	sshrl.u32 s8, $0x3;
	s7 =	sadd.s32 s10, s7  }
0xd: {  	s31 =	ssub.s32 s28, s29;
	p0 =	slt.u32 s6, $0x4;
	s6 =	sadd.s32 s30, s1  }
0xe: {  	s13 =	sadd.s32 s12, s5;
	s7 =	sshrl.u32 s7, $0x3;
	s10 =	smax.u32 s31, $0x1  }
0xf: {  	s11 =	sadd.s32 s12, s11;
	s26 =	sadd.s32 s7, s5;
	s5 =	simm.s32 $0x4F  }
0x10: {  	s7 =	sadd.s32 s30, s2;
	s12 =	sadd.s32 $0x1400, s13;
	s13 =	simm.s32 $0x600  }
0x11: {  	v0 =	vimm.f32 $1.000000000e+00;
	v1 =	vimm.f32 $0.0e+00;
	s5 =	simm.s32 @!p0 $0x4E;
	s8 =	sadd.s32 $0xB200, s26;
	s9 =	sadd.s32 $0xB210, s26  }
.LBB2_1:
0x12: {  	[tilespmem:$0x580] =	vst v0  }
0x13: {  	[tilespmem:$0x590] =	vst v0  }
0x14: {  	[tilespmem:$0x5A0] =	vst v0  }
0x15: {  	[tilespmem:$0x5B0] =	vst v0  }
0x16: {  	[tilespmem:$0x5C0] =	vst v0  }
0x17: {  	[tilespmem:$0x5D0] =	vst v0  }
0x18: {  	[tilespmem:$0x5E0] =	vst v0  }
0x19: {  	[tilespmem:$0x5F0] =	vst v0  }
0x1a: {  	[tilespmem:$0x600] =	vst v1  }
0x1b: {  	[tilespmem:$0x610] =	vst v1  }
0x1c: {  	[tilespmem:$0x620] =	vst v1  }
0x1d: {  	[tilespmem:$0x630] =	vst v1  }
0x1e: {  	[tilespmem:$0x640] =	vst v1  }
0x1f: {  	[tilespmem:$0x650] =	vst v1  }
0x20: {  	[tilespmem:$0x660] =	vst v1  }
0x21: {  	[tilespmem:$0x670] =	vst v1  }
0x22: {  	[tilespmem:$0x680] =	vst v1  }
0x23: {  	[tilespmem:$0x690] =	vst v1  }
0x24: {  	[tilespmem:$0x6A0] =	vst v1  }
0x25: {  	[tilespmem:$0x6B0] =	vst v1  }
0x26: {  	[tilespmem:$0x6C0] =	vst v1  }
0x27: {  	[tilespmem:$0x6D0] =	vst v1  }
0x28: {  	[tilespmem:$0x6E0] =	vst v1  }
0x29: {  	[tilespmem:$0x6F0] =	vst v1  }
0x2a: {  	[tilespmem:$0x700] =	vst v1  }
0x2b: {  	[tilespmem:$0x710] =	vst v1  }
0x2c: {  	[tilespmem:$0x720] =	vst v1  }
0x2d: {  	[tilespmem:$0x730] =	vst v1  }
0x2e: {  	[tilespmem:$0x740] =	vst v1  }
0x2f: {  	[tilespmem:$0x750] =	vst v1  }
0x30: {  	[tilespmem:$0x760] =	vst v1  }
0x31: {  	[tilespmem:$0x770] =	vst v1  }
0x32: {  	[tilespmem:$0x780] =	vst v1  }
0x33: {  	[tilespmem:$0x790] =	vst v1  }
0x34: {  	[tilespmem:$0x7A0] =	vst v1  }
0x35: {  	[tilespmem:$0x7B0] =	vst v1  }
0x36: {  	[tilespmem:$0x7C0] =	vst v1  }
0x37: {  	[tilespmem:$0x7D0] =	vst v1  }
0x38: {  	[tilespmem:$0x7E0] =	vst v1  }
0x39: {  	[tilespmem:$0x7F0] =	vst v1  }
0x3a: {  	[tilespmem:$0x800] =	vst v1  }
0x3b: {  	[tilespmem:$0x810] =	vst v1  }
0x3c: {  	[tilespmem:$0x820] =	vst v1  }
0x3d: {  	[tilespmem:$0x830] =	vst v1  }
0x3e: {  	[tilespmem:$0x840] =	vst v1  }
0x3f: {  	[tilespmem:$0x850] =	vst v1  }
0x40: {  	[tilespmem:$0x860] =	vst v1  }
0x41: {  	[tilespmem:$0x870] =	vst v1  }
0x42: {  	[spmem:s6] =	stream.linear.scatter [tilespmem:s13], [sflag:$0x1], $0x280, $0x38;
	[tilespmem:$0x880] =	vst v63  }
0x43: {  	_ =	swait.ge [sflag:s14], $0x280  }
0x44: {  	[sflag:s14] =	ssyncset.done $0x0  }
0x45: {  	[sflag:s14] =	ssyncadd.s32 $0xFFFFFD80  }
0x46: {  	[spmem:s7] =	stream.linear.scatter [tilespmem:s13], [sflag:$0x1], $0x280, $0x38;
	[tilespmem:$0x880] =	vst v63  }
0x47: {  	_ =	swait.ge [sflag:s14], $0x280  }
0x48: {  	[sflag:s14] =	ssyncset.done $0x0  }
0x49: {  	[sflag:s14] =	ssyncadd.s32 $0xFFFFFD80  }
0x4a: {  	[bflag:$0x0] =	sbarrier.arrive $0xFFFF  }
0x4b: {  	[tilespmem:s15], [sflag:$0x1] =	stream.linear.gather [hbm4b:s12+s4], $0x80, $0x38;
	[tilespmem:$0x880] =	vst v63  }
0x4c: {  	_ =	swait.ge [sflag:s14], $0x80  }
0x4d: {  	[sflag:s14] =	ssyncset.done $0x0  }
0x4e: {  	[sflag:s14] =	ssyncadd.s32 $0xFFFFFF80  }
0x4f: {  	[spmem:s1] =	stream.indirect.scatter.add.f32 [tilespmem:s17], [sflag:$0x1], $0x1, s15, s16, $0xb8;
	[tilespmem:$0x880] =	vst v63  }
0x50: {  	_ =	swait.ge [sflag:s14], $0x80  }
0x51: {  	[sflag:s14] =	ssyncset.done $0x0  }
0x52: {  	[sflag:s14] =	ssyncadd.s32 $0xFFFFFF80  }
0x53: {  	[tilespmem:s15], [sflag:$0x1] =	stream.linear.gather [hbm4b:s11+s4], $0x80, $0x38;
	[tilespmem:$0x880] =	vst v63  }
0x54: {  	p0 =	sne.s32 s5, $0x1;
	_ =	swait.ge [sflag:s14], $0x80  }
.Ltmp0:
0x55: {  	[sflag:s14] =	ssyncset.done $0x0;
	(pc) =	sbr.rel @!p0 .LBB2_3-.Ltmp0, $4  }
0x56: {  	[sflag:s14] =	ssyncadd.s32 $0xFFFFFF80  }
0x57: {  	[spmem:s2] =	stream.indirect.scatter.add.f32 [tilespmem:s17], [sflag:$0x1], $0x1, s15, s16, $0xb8;
	[tilespmem:$0x880] =	vst v63  }
0x58: {  	s20 =	sadd.s32 $0xFFFFFFFF, s5;
	_ =	swait.ge [sflag:s14], $0x80  }
0x59: {  	s21 =	smov.u32 s11;
	s22 =	smov.u32 s12;
	[sflag:s14] =	ssyncset.done $0x0  }
.LBB2_2:
0x5a: {  	[sflag:s14] =	ssyncadd.s32 $0xFFFFFF80;
	s21 =	sadd.s32 $0x200, s21;
	s22 =	sadd.s32 $0x200, s22  }
0x5b: {  	[tilespmem:s15], [sflag:$0x1] =	stream.linear.gather [hbm4b:s22+s4], $0x80, $0x38;
	[tilespmem:$0x880] =	vst v63  }
0x5c: {  	p0 =	sne.s32 s20, $0x1;
	s20 =	sadd.s32 $0xFFFFFFFF, s20;
	_ =	swait.ge [sflag:s14], $0x80  }
0x5d: {  	[sflag:s14] =	ssyncset.done $0x0  }
0x5e: {  	[sflag:s14] =	ssyncadd.s32 $0xFFFFFF80  }
0x5f: {  	[spmem:s1] =	stream.indirect.scatter.add.f32 [tilespmem:s17], [sflag:$0x1], $0x1, s15, s16, $0xb8;
	[tilespmem:$0x880] =	vst v63  }
0x60: {  	_ =	swait.ge [sflag:s14], $0x80  }
0x61: {  	[sflag:s14] =	ssyncset.done $0x0  }
0x62: {  	[sflag:s14] =	ssyncadd.s32 $0xFFFFFF80  }
0x63: {  	[tilespmem:s15], [sflag:$0x1] =	stream.linear.gather [hbm4b:s21+s4], $0x80, $0x38;
	[tilespmem:$0x880] =	vst v63  }
0x64: {  	_ =	swait.ge [sflag:s14], $0x80  }
.Ltmp1:
0x65: {  	[sflag:s14] =	ssyncset.done $0x0;
	(pc) =	sbr.rel @p0 .LBB2_2-.Ltmp1, $4  }
0x66: {  	[sflag:s14] =	ssyncadd.s32 $0xFFFFFF80  }
0x67: {  	[spmem:s2] =	stream.indirect.scatter.add.f32 [tilespmem:s17], [sflag:$0x1], $0x1, s15, s16, $0xb8;
	[tilespmem:$0x880] =	vst v63  }
0x68: {  	_ =	swait.ge [sflag:s14], $0x80  }
0x69: {  	[sflag:s14] =	ssyncset.done $0x0  }
.LBB2_3:
0x6a: {  	[sflag:s14] =	ssyncadd.s32 $0xFFFFFF80  }
0x6b: {  	[bflag:$0x0] =	sbarrier.arrive $0xFFFF  }
0x6c: {  	[tilespmem:s13], [sflag:$0x1] =	stream.linear.gather [spmem:s6], $0x280, $0x38;
	[tilespmem:$0x880] =	vst v63  }
0x6d: {  	_ =	swait.ge [sflag:s14], $0x280  }
0x6e: {  	[sflag:s14] =	ssyncset.done $0x0  }
0x6f: {  	[sflag:s14] =	ssyncadd.s32 $0xFFFFFD80  }
0x70: {  	[hbm4b:s8+s16] =	stream.strided.scatter [tilespmem:s13], [sflag:$0x1], $0x280, s18, s16, $0x38;
	[tilespmem:$0x880] =	vst v63  }
0x71: {  	_ =	swait.ge [sflag:s14], $0x280  }
0x72: {  	[sflag:s14] =	ssyncset.done $0x0  }
0x73: {  	[sflag:s14] =	ssyncadd.s32 $0xFFFFFD80  }
0x74: {  	[tilespmem:s13], [sflag:$0x1] =	stream.linear.gather [spmem:s7], $0x280, $0x38;
	[tilespmem:$0x880] =	vst v63  }
0x75: {  	s19 =	sadd.s32 $0x1, s19;
	_ =	swait.ge [sflag:s14], $0x280  }
0x76: {  	p0 =	sne.s32 s19, s10;
	[sflag:s14] =	ssyncset.done $0x0  }
.Ltmp2:
0x77: {  	[sflag:s14] =	ssyncadd.s32 $0xFFFFFD80;
	(pc) =	sbr.rel @p0 .LBB2_1-.Ltmp2, $4  }
0x78: {  	[hbm4b:s9+s16] =	stream.strided.scatter [tilespmem:s13], [sflag:$0x1], $0x280, s18, s16, $0x38;
	[tilespmem:$0x880] =	vst v63  }
0x79: {  	_ =	swait.ge [sflag:s14], $0x280  }
0x7a: {  	[sflag:s14] =	ssyncset.done $0x0  }
0x7b: {  	[sflag:s14] =	ssyncadd.s32 $0xFFFFFD80  }
0x7c: {  	_ =	sfence.sel $0x180000  }
0x7d: {  	[bflag:$0x0] =	sbarrier.arrive $0xFFFF  }
0x7e: {  	p0 =	sne.s32 s0, $0x0;
	_ =	strace $0x90000047  }
0x7f: {  	s0 =	sadd.s32 @!p0 $0x100000, s3;
	[bflag:$0x2] =	sbarrier.arrive $0xFFFF  }
0x80: {  	[sflag:s0] =	ssyncadd.tile.s32 @!p0 $0x1;
	_ =	shalt  }
.Lfunc_end2:
_tile_overlayer_lowered:
.L_overlay_start_2:
0x81: {  	(tag) =	ssettag $0x2  }
0x82: {  	s0 =	rddreg [dreg:$0x0];
	s2 =	stileid.u32  }
0x83: {  	s1 =	rddreg [dreg:$0x1];
	p0 =	sne.s32 s2, $0x0  }
0x84: {  	s3 =	rddreg [dreg:$0x2];
	[bflag:$0x3] =	sbarrier.arrive $0xFFFF;
	s2 =	simm.s32 @!p0 $0x1C01  }
0x85: {  	[timem:s3], [sflag:s2] =	dma.local @!p0 [hbm:s0], s1  }
0x86: {  	s0 =	simm.s32 @!p0 $0x1  }
0x87: {  	_ =	swait.ge @!p0 [sflag:s0], s1  }
0x88: {  	s1 =	ssub.s32 @!p0 $0x0, s1;
	[sflag:s0] =	ssyncset.done @!p0 $0x0  }
0x89: {  	[sflag:s0] =	ssyncadd.s32 @!p0 s1  }
0x8a: {  	[bflag:$0x3] =	sbarrier.arrive $0xFFFF  }
0x8b: {  	_ =	shalt  }

</sc_bundles>
